<compile_context>
chip_gen: v7x
topology: tpu7x:2x2x1
jax: 0.10.2.dev20260603
libtpu: 0.0.44.dev20260713+nightly
codegen_flags: <defaults>
</compile_context>

<pallas_src>
import functools

import jax
import jax.numpy as jnp
from jax import lax
from jax.experimental import pallas as pl
from jax.experimental.pallas import tpu as pltpu
from jax.experimental.pallas import tpu_sc as plsc

VOCAB = 1000000
DIM = 64
L = 200
MARGIN = 1.0

NS = 16
PAIRS_PER_W = 16
P = NS * PAIRS_PER_W


def _sc_body(e_hbm, idx_hbm, u_hbm, out_hbm,
             idx_v, rows_v, u_v, loss_v, stage_v, shared, sem):
    wid = lax.axis_index("s")
    base = wid * (2 * PAIRS_PER_W)

    pltpu.sync_copy(idx_hbm.at[pl.ds(base, 2 * PAIRS_PER_W)], idx_v)
    pltpu.sync_copy(u_hbm, u_v)
    pltpu.async_copy(e_hbm.at[idx_v], rows_v, sem).wait()

    partial = jnp.float32(0.0)
    for j in range(PAIRS_PER_W):
        acc = ((rows_v[j, pl.ds(0, 16)] - rows_v[j + PAIRS_PER_W, pl.ds(0, 16)])
               * u_v[pl.ds(0, 16)])
        for c in range(1, DIM // 16):
            acc = acc + ((rows_v[j, pl.ds(c * 16, 16)]
                          - rows_v[j + PAIRS_PER_W, pl.ds(c * 16, 16)])
                         * u_v[pl.ds(c * 16, 16)])
        s = jnp.sum(acc)
        hinge = jnp.maximum(jnp.float32(0.0), MARGIN - s)
        valid = (wid * PAIRS_PER_W + j) < L
        partial = partial + jnp.where(valid, hinge, jnp.float32(0.0))

    loss_v[...] = jnp.full((16,), partial, jnp.float32)
    pltpu.sync_copy(loss_v, shared.at[wid])
    plsc.subcore_barrier()

    @pl.when(wid == 0)
    def _():
        pltpu.sync_copy(shared, stage_v)
        tot = stage_v[0]
        for w in range(1, NS):
            tot = tot + stage_v[w]
        mean = jnp.sum(tot) * (1.0 / (16.0 * L))
        loss_v[...] = jnp.full((16,), mean, jnp.float32)
        pltpu.sync_copy(loss_v, out_hbm)


_sc_call = functools.partial(
    pl.kernel,
    out_type=jax.ShapeDtypeStruct((16,), jnp.float32),
    mesh=plsc.VectorSubcoreMesh(core_axis_name="c", subcore_axis_name="s",
                                num_cores=1, num_subcores=NS),
    compiler_params=pltpu.CompilerParams(needs_layout_passes=False,
                                         use_tc_tiling_on_sc=False),
    scratch_types=[
        pltpu.VMEM((2 * PAIRS_PER_W,), jnp.int32),
        pltpu.VMEM((2 * PAIRS_PER_W, DIM), jnp.float32),
        pltpu.VMEM((DIM,), jnp.float32),
        pltpu.VMEM((16,), jnp.float32),
        pltpu.VMEM((NS, 16), jnp.float32),
        pltpu.VMEM_SHARED((NS, 16), jnp.float32),
        pltpu.SemaphoreType.DMA,
    ],
)(_sc_body)


def kernel(pos_sample, neg_samples, E, U):
    pos = pos_sample.astype(jnp.int32)
    neg = neg_samples.astype(jnp.int32)
    posp = jnp.zeros((P,), jnp.int32).at[:L].set(pos)
    negp = jnp.zeros((P,), jnp.int32).at[:L].set(neg)
    idx = jnp.concatenate(
        [posp.reshape(NS, PAIRS_PER_W), negp.reshape(NS, PAIRS_PER_W)], axis=1
    ).reshape(2 * P)
    out = _sc_call(E, idx, U.reshape(DIM))
    return out[0]

# --- scband reference (transcript-rebuilt; emitter-appended) ---
"""Pipeline reference for scband-user2-vec-29429115912618 (READ-ONLY COPY).

The authoritative reference and input builder live on the scoring server;
editing this copy changes nothing except your own understanding.
"""

import jax, jax.numpy as jnp
import numpy as np

VOCAB = 1000000
DIM = 64
L = 200
MARGIN = 1.0

def setup_inputs(seed: int = 0) -> dict:
    key = jax.random.key(seed)
    k1, k2, k3, k4 = jax.random.split(key, 4)
    pos_sample = jax.random.randint(k1, (L,), 0, VOCAB)
    neg_samples = jax.random.randint(k2, (L,), 0, VOCAB)
    # pretrained (frozen) word embedding table, per init_kwargs word_embeddings shape [VOCAB, DIM]
    E = jax.random.normal(k3, (VOCAB, DIM), dtype=jnp.float32)
    # user embedding U: nn.Embedding(1, DIM) with uniform(-1/DIM, 1/DIM) init
    initrange = 1.0 / DIM
    U = jax.random.uniform(k4, (1, DIM), minval=-initrange, maxval=initrange, dtype=jnp.float32)
    return {"pos_sample": pos_sample, "neg_samples": neg_samples, "E": E, "U": U}

def reference(pos_sample, neg_samples, E, U):
    emb_pos = jnp.take(E, pos_sample, axis=0)          # [L, DIM] gather
    emb_neg = jnp.take(E, neg_samples, axis=0)         # [L, DIM] gather
    emb_user = jnp.take(U, jnp.array([0]), axis=0)     # [1, DIM]
    logits = emb_pos @ emb_user.T                      # [L, 1]
    neg_logits = emb_neg @ emb_user.T                  # [L, 1]
    zero_tensor = jnp.zeros_like(logits)
    loss = jnp.maximum(zero_tensor, MARGIN - logits + neg_logits)
    return loss.mean()

if __name__ == "__main__":
    import jax
    _d = setup_inputs()
    print(jax.jit(kernel)(*tuple(_d.values())))

</pallas_src>

<mosaic_0001>
#map = affine_map<(d0, d1) -> (0, 0)>
#map1 = affine_map<(d0, d1) -> (0)>
module attributes {stable_mosaic.version = 14 : i64} {
  func.func @_sc_body(%arg0: i32, %arg1: i32, %arg2: memref<1000000x64xf32, #tpu.memory_space<hbm>>, %arg3: memref<512xi32, #tpu.memory_space<hbm>>, %arg4: memref<64xf32, #tpu.memory_space<hbm>>, %arg5: memref<16xf32, #tpu.memory_space<hbm>>, %arg6: memref<32xi32, #tpu.memory_space<vmem>>, %arg7: memref<32x64xf32, #tpu.memory_space<vmem>>, %arg8: memref<64xf32, #tpu.memory_space<vmem>>, %arg9: memref<16xf32, #tpu.memory_space<vmem>>, %arg10: memref<16x16xf32, #tpu.memory_space<vmem>>, %arg11: memref<16x16xf32, #tpu.memory_space<vmem_shared>>, %arg12: memref<!tpu.dma_semaphore, #tpu.memory_space<semaphore_mem>>) attributes {dimension_semantics = [#tpu.dimension_semantics<core_parallel>, #tpu.dimension_semantics<subcore_parallel>], iteration_bounds = array<i64: 1, 16>, scalar_prefetch = 0 : i64, scratch_operands = 7 : i64, tpu.core_type = #tpu.core_type<sc_vector_subcore>, window_params = [{transform_indices = #map}, {transform_indices = #map1}, {transform_indices = #map1}, {transform_indices = #map1}]} {
    %mul3A = arith.constant 32 : i32
    %mul3A_0 = arith.muli %arg1, %mul3A : i32
    "tpu.region"() ({
      %run_scoped3A = tpu.sem_alloc : memref<!tpu.dma_semaphore, #tpu.memory_space<semaphore_mem>>
      %dma_start3A_1089 = tpu.memref_slice %arg3[%mul3A_0] : memref<512xi32, #tpu.memory_space<hbm>> -> memref<32xi32, #tpu.memory_space<hbm>>
      %dma_start3A_1090 = tpu.memref_slice %arg3[%mul3A_0] : memref<512xi32, #tpu.memory_space<hbm>> -> memref<32xi32, #tpu.memory_space<hbm>>
      tpu.enqueue_dma source(%dma_start3A_1090 : memref<32xi32, #tpu.memory_space<hbm>>) target(%arg6 : memref<32xi32, #tpu.memory_space<vmem>>) target_semaphore(%run_scoped3A : memref<!tpu.dma_semaphore, #tpu.memory_space<semaphore_mem>>)
      %dma_wait3A_1091 = tpu.memref_slice %arg3[%mul3A_0] : memref<512xi32, #tpu.memory_space<hbm>> -> memref<32xi32, #tpu.memory_space<hbm>>
      %dma_wait3A_1092 = tpu.memref_slice %arg3[%mul3A_0] : memref<512xi32, #tpu.memory_space<hbm>> -> memref<32xi32, #tpu.memory_space<hbm>>
      tpu.wait_dma2 semaphore(%run_scoped3A : memref<!tpu.dma_semaphore, #tpu.memory_space<semaphore_mem>>) src(%dma_wait3A_1092 : memref<32xi32, #tpu.memory_space<hbm>>) dst(%arg6 : memref<32xi32, #tpu.memory_space<vmem>>)
      tpu.yield
    }) : () -> ()
    "tpu.region"() ({
      %run_scoped3A = tpu.sem_alloc : memref<!tpu.dma_semaphore, #tpu.memory_space<semaphore_mem>>
      tpu.enqueue_dma source(%arg4 : memref<64xf32, #tpu.memory_space<hbm>>) target(%arg8 : memref<64xf32, #tpu.memory_space<vmem>>) target_semaphore(%run_scoped3A : memref<!tpu.dma_semaphore, #tpu.memory_space<semaphore_mem>>)
      tpu.wait_dma2 semaphore(%run_scoped3A : memref<!tpu.dma_semaphore, #tpu.memory_space<semaphore_mem>>) src(%arg4 : memref<64xf32, #tpu.memory_space<hbm>>) dst(%arg8 : memref<64xf32, #tpu.memory_space<vmem>>)
      tpu.yield
    }) : () -> ()
    %dma_start3A = arith.constant 0 : i32
    %dma_start3A_1 = arith.constant 0 : i32
    %dma_start3A_2 = tpu.memref_slice %arg2[%dma_start3A, %dma_start3A_1] : memref<1000000x64xf32, #tpu.memory_space<hbm>> -> memref<1000000x64xf32, #tpu.memory_space<hbm>>
    tpu.enqueue_indirect_dma source(%dma_start3A_2 : memref<1000000x64xf32, #tpu.memory_space<hbm>>) target(%arg7 : memref<32x64xf32, #tpu.memory_space<vmem>>) offsets(%arg6 : memref<32xi32, #tpu.memory_space<vmem>>) semaphore(%arg12 : memref<!tpu.dma_semaphore, #tpu.memory_space<semaphore_mem>>)
    %dma_wait3A = arith.constant 0 : i32
    %dma_wait3A_3 = arith.constant 0 : i32
    %dma_wait3A_4 = tpu.memref_slice %arg2[%dma_wait3A, %dma_wait3A_3] : memref<1000000x64xf32, #tpu.memory_space<hbm>> -> memref<1000000x64xf32, #tpu.memory_space<hbm>>
    tpu.wait_indirect_dma semaphore(%arg12 : memref<!tpu.dma_semaphore, #tpu.memory_space<semaphore_mem>>) src(%dma_wait3A_4 : memref<1000000x64xf32, #tpu.memory_space<hbm>>) dst(%arg7 : memref<32x64xf32, #tpu.memory_space<vmem>>)
    %get3A = arith.constant 0 : i32
    %get3A_5 = arith.index_cast %get3A : i32 to index
    %get3A_6 = arith.constant 0 : index
    %get3A_7 = tpu.vector_load %arg7[%get3A_5, %get3A_6] {strides = array<i32>} : memref<32x64xf32, #tpu.memory_space<vmem>>, vector<16xf32>,
    %get3A_8 = arith.constant 16 : i32
    %get3A_9 = arith.index_cast %get3A_8 : i32 to index
    %get3A_10 = arith.constant 0 : index
    %get3A_11 = tpu.vector_load %arg7[%get3A_9, %get3A_10] {strides = array<i32>} : memref<32x64xf32, #tpu.memory_space<vmem>>, vector<16xf32>,
    %sub3A = arith.subf %get3A_7, %get3A_11 : vector<16xf32>
    %get3A_12 = arith.constant 0 : index
    %get3A_13 = tpu.vector_load %arg8[%get3A_12] {strides = array<i32>} : memref<64xf32, #tpu.memory_space<vmem>>, vector<16xf32>,
    %mul3A_14 = arith.mulf %sub3A, %get3A_13 : vector<16xf32>
    %get3A_15 = arith.constant 0 : i32
    %get3A_16 = arith.index_cast %get3A_15 : i32 to index
    %get3A_17 = arith.constant 16 : index
    %get3A_18 = tpu.vector_load %arg7[%get3A_16, %get3A_17] {strides = array<i32>} : memref<32x64xf32, #tpu.memory_space<vmem>>, vector<16xf32>,
    %get3A_19 = arith.constant 16 : i32
    %get3A_20 = arith.index_cast %get3A_19 : i32 to index
    %get3A_21 = arith.constant 16 : index
    %get3A_22 = tpu.vector_load %arg7[%get3A_20, %get3A_21] {strides = array<i32>} : memref<32x64xf32, #tpu.memory_space<vmem>>, vector<16xf32>,
    %sub3A_23 = arith.subf %get3A_18, %get3A_22 : vector<16xf32>
    %get3A_24 = arith.constant 16 : index
    %get3A_25 = tpu.vector_load %arg8[%get3A_24] {strides = array<i32>} : memref<64xf32, #tpu.memory_space<vmem>>, vector<16xf32>,
    %mul3A_26 = arith.mulf %sub3A_23, %get3A_25 : vector<16xf32>
    %add3A = arith.addf %mul3A_14, %mul3A_26 : vector<16xf32>
    %get3A_27 = arith.constant 0 : i32
    %get3A_28 = arith.index_cast %get3A_27 : i32 to index
    %get3A_29 = arith.constant 32 : index
    %get3A_30 = tpu.vector_load %arg7[%get3A_28, %get3A_29] {strides = array<i32>} : memref<32x64xf32, #tpu.memory_space<vmem>>, vector<16xf32>,
    %get3A_31 = arith.constant 16 : i32
    %get3A_32 = arith.index_cast %get3A_31 : i32 to index
    %get3A_33 = arith.constant 32 : index
    %get3A_34 = tpu.vector_load %arg7[%get3A_32, %get3A_33] {strides = array<i32>} : memref<32x64xf32, #tpu.memory_space<vmem>>, vector<16xf32>,
    %sub3A_35 = arith.subf %get3A_30, %get3A_34 : vector<16xf32>
    %get3A_36 = arith.constant 32 : index
    %get3A_37 = tpu.vector_load %arg8[%get3A_36] {strides = array<i32>} : memref<64xf32, #tpu.memory_space<vmem>>, vector<16xf32>,
    %mul3A_38 = arith.mulf %sub3A_35, %get3A_37 : vector<16xf32>
    %add3A_39 = arith.addf %add3A, %mul3A_38 : vector<16xf32>
    %get3A_40 = arith.constant 0 : i32
    %get3A_41 = arith.index_cast %get3A_40 : i32 to index
    %get3A_42 = arith.constant 48 : index
    %get3A_43 = tpu.vector_load %arg7[%get3A_41, %get3A_42] {strides = array<i32>} : memref<32x64xf32, #tpu.memory_space<vmem>>, vector<16xf32>,
    %get3A_44 = arith.constant 16 : i32
    %get3A_45 = arith.index_cast %get3A_44 : i32 to index
    %get3A_46 = arith.constant 48 : index
    %get3A_47 = tpu.vector_load %arg7[%get3A_45, %get3A_46] {strides = array<i32>} : memref<32x64xf32, #tpu.memory_space<vmem>>, vector<16xf32>,
    %sub3A_48 = arith.subf %get3A_43, %get3A_47 : vector<16xf32>
    %get3A_49 = arith.constant 48 : index
    %get3A_50 = tpu.vector_load %arg8[%get3A_49] {strides = array<i32>} : memref<64xf32, #tpu.memory_space<vmem>>, vector<16xf32>,
    %mul3A_51 = arith.mulf %sub3A_48, %get3A_50 : vector<16xf32>
    %add3A_52 = arith.addf %add3A_39, %mul3A_51 : vector<16xf32>
    %reduce_sum3A = arith.constant true
    %reduce_sum3A_53 = vector.broadcast %reduce_sum3A : i1 to vector<16xi1>
    %reduce_sum3A_54 = tpu.scan <sum>, %add3A_52 masked %reduce_sum3A_53 : vector<16xf32>, vector<16xi1> -> vector<16xf32>
    %reduce_sum3A_55 = vector.extract %reduce_sum3A_54[15] : f32 from vector<16xf32>
    %sub3A_56 = arith.constant 1.000000e+00 : f32
    %sub3A_57 = arith.subf %sub3A_56, %reduce_sum3A_55 : f32
    %max3A = arith.constant 0.000000e+00 : f32
    %max3A_58 = arith.maximumf %max3A, %sub3A_57 : f32
    %mul3A_59 = arith.constant 16 : i32
    %mul3A_60 = arith.muli %arg1, %mul3A_59 : i32
    %add3A_61 = arith.constant 0 : i32
    %add3A_62 = arith.addi %mul3A_60, %add3A_61 : i32
    %lt3A = arith.constant 200 : i32
    %lt3A_63 = arith.cmpi slt, %add3A_62, %lt3A : i32
    %jit3A = arith.constant 0.000000e+00 : f32
    %select_n3A = arith.select %lt3A_63, %max3A_58, %jit3A : f32
    %add3A_64 = arith.constant 0.000000e+00 : f32
    %add3A_65 = arith.addf %add3A_64, %select_n3A : f32
    %get3A_66 = arith.constant 1 : i32
    %get3A_67 = arith.index_cast %get3A_66 : i32 to index
    %get3A_68 = arith.constant 0 : index
    %get3A_69 = tpu.vector_load %arg7[%get3A_67, %get3A_68] {strides = array<i32>} : memref<32x64xf32, #tpu.memory_space<vmem>>, vector<16xf32>,
    %get3A_70 = arith.constant 17 : i32
    %get3A_71 = arith.index_cast %get3A_70 : i32 to index
    %get3A_72 = arith.constant 0 : index
    %get3A_73 = tpu.vector_load %arg7[%get3A_71, %get3A_72] {strides = array<i32>} : memref<32x64xf32, #tpu.memory_space<vmem>>, vector<16xf32>,
    %sub3A_74 = arith.subf %get3A_69, %get3A_73 : vector<16xf32>
    %get3A_75 = arith.constant 0 : index
    %get3A_76 = tpu.vector_load %arg8[%get3A_75] {strides = array<i32>} : memref<64xf32, #tpu.memory_space<vmem>>, vector<16xf32>,
    %mul3A_77 = arith.mulf %sub3A_74, %get3A_76 : vector<16xf32>
    %get3A_78 = arith.constant 1 : i32
    %get3A_79 = arith.index_cast %get3A_78 : i32 to index
    %get3A_80 = arith.constant 16 : index
    %get3A_81 = tpu.vector_load %arg7[%get3A_79, %get3A_80] {strides = array<i32>} : memref<32x64xf32, #tpu.memory_space<vmem>>, vector<16xf32>,
    %get3A_82 = arith.constant 17 : i32
    %get3A_83 = arith.index_cast %get3A_82 : i32 to index
    %get3A_84 = arith.constant 16 : index
    %get3A_85 = tpu.vector_load %arg7[%get3A_83, %get3A_84] {strides = array<i32>} : memref<32x64xf32, #tpu.memory_space<vmem>>, vector<16xf32>,
    %sub3A_86 = arith.subf %get3A_81, %get3A_85 : vector<16xf32>
    %get3A_87 = arith.constant 16 : index
    %get3A_88 = tpu.vector_load %arg8[%get3A_87] {strides = array<i32>} : memref<64xf32, #tpu.memory_space<vmem>>, vector<16xf32>,
    %mul3A_89 = arith.mulf %sub3A_86, %get3A_88 : vector<16xf32>
    %add3A_90 = arith.addf %mul3A_77, %mul3A_89 : vector<16xf32>
    %get3A_91 = arith.constant 1 : i32
    %get3A_92 = arith.index_cast %get3A_91 : i32 to index
    %get3A_93 = arith.constant 32 : index
    %get3A_94 = tpu.vector_load %arg7[%get3A_92, %get3A_93] {strides = array<i32>} : memref<32x64xf32, #tpu.memory_space<vmem>>, vector<16xf32>,
    %get3A_95 = arith.constant 17 : i32
    %get3A_96 = arith.index_cast %get3A_95 : i32 to index
    %get3A_97 = arith.constant 32 : index
    %get3A_98 = tpu.vector_load %arg7[%get3A_96, %get3A_97] {strides = array<i32>} : memref<32x64xf32, #tpu.memory_space<vmem>>, vector<16xf32>,
    %sub3A_99 = arith.subf %get3A_94, %get3A_98 : vector<16xf32>
    %get3A_100 = arith.constant 32 : index
    %get3A_101 = tpu.vector_load %arg8[%get3A_100] {strides = array<i32>} : memref<64xf32, #tpu.memory_space<vmem>>, vector<16xf32>,
    %mul3A_102 = arith.mulf %sub3A_99, %get3A_101 : vector<16xf32>
    %add3A_103 = arith.addf %add3A_90, %mul3A_102 : vector<16xf32>
    %get3A_104 = arith.constant 1 : i32
    %get3A_105 = arith.index_cast %get3A_104 : i32 to index
    %get3A_106 = arith.constant 48 : index
    %get3A_107 = tpu.vector_load %arg7[%get3A_105, %get3A_106] {strides = array<i32>} : memref<32x64xf32, #tpu.memory_space<vmem>>, vector<16xf32>,
    %get3A_108 = arith.constant 17 : i32
    %get3A_109 = arith.index_cast %get3A_108 : i32 to index
    %get3A_110 = arith.constant 48 : index
    %get3A_111 = tpu.vector_load %arg7[%get3A_109, %get3A_110] {strides = array<i32>} : memref<32x64xf32, #tpu.memory_space<vmem>>, vector<16xf32>,
    %sub3A_112 = arith.subf %get3A_107, %get3A_111 : vector<16xf32>
    %get3A_113 = arith.constant 48 : index
    %get3A_114 = tpu.vector_load %arg8[%get3A_113] {strides = array<i32>} : memref<64xf32, #tpu.memory_space<vmem>>, vector<16xf32>,
    %mul3A_115 = arith.mulf %sub3A_112, %get3A_114 : vector<16xf32>
    %add3A_116 = arith.addf %add3A_103, %mul3A_115 : vector<16xf32>
    %reduce_sum3A_117 = arith.constant true
    %reduce_sum3A_118 = vector.broadcast %reduce_sum3A_117 : i1 to vector<16xi1>
    %reduce_sum3A_119 = tpu.scan <sum>, %add3A_116 masked %reduce_sum3A_118 : vector<16xf32>, vector<16xi1> -> vector<16xf32>
    %reduce_sum3A_120 = vector.extract %reduce_sum3A_119[15] : f32 from vector<16xf32>
    %sub3A_121 = arith.constant 1.000000e+00 : f32
    %sub3A_122 = arith.subf %sub3A_121, %reduce_sum3A_120 : f32
    %max3A_123 = arith.constant 0.000000e+00 : f32
    %max3A_124 = arith.maximumf %max3A_123, %sub3A_122 : f32
    %mul3A_125 = arith.constant 16 : i32
    %mul3A_126 = arith.muli %arg1, %mul3A_125 : i32
    %add3A_127 = arith.constant 1 : i32
    %add3A_128 = arith.addi %mul3A_126, %add3A_127 : i32
    %lt3A_129 = arith.constant 200 : i32
    %lt3A_130 = arith.cmpi slt, %add3A_128, %lt3A_129 : i32
    %jit3A_131 = arith.constant 0.000000e+00 : f32
    %select_n3A_132 = arith.select %lt3A_130, %max3A_124, %jit3A_131 : f32
    %add3A_133 = arith.addf %add3A_65, %select_n3A_132 : f32
    %get3A_134 = arith.constant 2 : i32
    %get3A_135 = arith.index_cast %get3A_134 : i32 to index
    %get3A_136 = arith.constant 0 : index
    %get3A_137 = tpu.vector_load %arg7[%get3A_135, %get3A_136] {strides = array<i32>} : memref<32x64xf32, #tpu.memory_space<vmem>>, vector<16xf32>,
    %get3A_138 = arith.constant 18 : i32
    %get3A_139 = arith.index_cast %get3A_138 : i32 to index
    %get3A_140 = arith.constant 0 : index
    %get3A_141 = tpu.vector_load %arg7[%get3A_139, %get3A_140] {strides = array<i32>} : memref<32x64xf32, #tpu.memory_space<vmem>>, vector<16xf32>,
    %sub3A_142 = arith.subf %get3A_137, %get3A_141 : vector<16xf32>
    %get3A_143 = arith.constant 0 : index
    %get3A_144 = tpu.vector_load %arg8[%get3A_143] {strides = array<i32>} : memref<64xf32, #tpu.memory_space<vmem>>, vector<16xf32>,
    %mul3A_145 = arith.mulf %sub3A_142, %get3A_144 : vector<16xf32>
    %get3A_146 = arith.constant 2 : i32
    %get3A_147 = arith.index_cast %get3A_146 : i32 to index
    %get3A_148 = arith.constant 16 : index
    %get3A_149 = tpu.vector_load %arg7[%get3A_147, %get3A_148] {strides = array<i32>} : memref<32x64xf32, #tpu.memory_space<vmem>>, vector<16xf32>,
    %get3A_150 = arith.constant 18 : i32
    %get3A_151 = arith.index_cast %get3A_150 : i32 to index
    %get3A_152 = arith.constant 16 : index
    %get3A_153 = tpu.vector_load %arg7[%get3A_151, %get3A_152] {strides = array<i32>} : memref<32x64xf32, #tpu.memory_space<vmem>>, vector<16xf32>,
    %sub3A_154 = arith.subf %get3A_149, %get3A_153 : vector<16xf32>
    %get3A_155 = arith.constant 16 : index
    %get3A_156 = tpu.vector_load %arg8[%get3A_155] {strides = array<i32>} : memref<64xf32, #tpu.memory_space<vmem>>, vector<16xf32>,
    %mul3A_157 = arith.mulf %sub3A_154, %get3A_156 : vector<16xf32>
    %add3A_158 = arith.addf %mul3A_145, %mul3A_157 : vector<16xf32>
    %get3A_159 = arith.constant 2 : i32
    %get3A_160 = arith.index_cast %get3A_159 : i32 to index
    %get3A_161 = arith.constant 32 : index
    %get3A_162 = tpu.vector_load %arg7[%get3A_160, %get3A_161] {strides = array<i32>} : memref<32x64xf32, #tpu.memory_space<vmem>>, vector<16xf32>,
    %get3A_163 = arith.constant 18 : i32
    %get3A_164 = arith.index_cast %get3A_163 : i32 to index
    %get3A_165 = arith.constant 32 : index
    %get3A_166 = tpu.vector_load %arg7[%get3A_164, %get3A_165] {strides = array<i32>} : memref<32x64xf32, #tpu.memory_space<vmem>>, vector<16xf32>,
    %sub3A_167 = arith.subf %get3A_162, %get3A_166 : vector<16xf32>
    %get3A_168 = arith.constant 32 : index
    %get3A_169 = tpu.vector_load %arg8[%get3A_168] {strides = array<i32>} : memref<64xf32, #tpu.memory_space<vmem>>, vector<16xf32>,
    %mul3A_170 = arith.mulf %sub3A_167, %get3A_169 : vector<16xf32>
    %add3A_171 = arith.addf %add3A_158, %mul3A_170 : vector<16xf32>
    %get3A_172 = arith.constant 2 : i32
    %get3A_173 = arith.index_cast %get3A_172 : i32 to index
    %get3A_174 = arith.constant 48 : index
    %get3A_175 = tpu.vector_load %arg7[%get3A_173, %get3A_174] {strides = array<i32>} : memref<32x64xf32, #tpu.memory_space<vmem>>, vector<16xf32>,
    %get3A_176 = arith.constant 18 : i32
    %get3A_177 = arith.index_cast %get3A_176 : i32 to index
    %get3A_178 = arith.constant 48 : index
    %get3A_179 = tpu.vector_load %arg7[%get3A_177, %get3A_178] {strides = array<i32>} : memref<32x64xf32, #tpu.memory_space<vmem>>, vector<16xf32>,
    %sub3A_180 = arith.subf %get3A_175, %get3A_179 : vector<16xf32>
    %get3A_181 = arith.constant 48 : index
    %get3A_182 = tpu.vector_load %arg8[%get3A_181] {strides = array<i32>} : memref<64xf32, #tpu.memory_space<vmem>>, vector<16xf32>,
    %mul3A_183 = arith.mulf %sub3A_180, %get3A_182 : vector<16xf32>
    %add3A_184 = arith.addf %add3A_171, %mul3A_183 : vector<16xf32>
    %reduce_sum3A_185 = arith.constant true
    %reduce_sum3A_186 = vector.broadcast %reduce_sum3A_185 : i1 to vector<16xi1>
    %reduce_sum3A_187 = tpu.scan <sum>, %add3A_184 masked %reduce_sum3A_186 : vector<16xf32>, vector<16xi1> -> vector<16xf32>
    %reduce_sum3A_188 = vector.extract %reduce_sum3A_187[15] : f32 from vector<16xf32>
    %sub3A_189 = arith.constant 1.000000e+00 : f32
    %sub3A_190 = arith.subf %sub3A_189, %reduce_sum3A_188 : f32
    %max3A_191 = arith.constant 0.000000e+00 : f32
    %max3A_192 = arith.maximumf %max3A_191, %sub3A_190 : f32
    %mul3A_193 = arith.constant 16 : i32
    %mul3A_194 = arith.muli %arg1, %mul3A_193 : i32
    %add3A_195 = arith.constant 2 : i32
    %add3A_196 = arith.addi %mul3A_194, %add3A_195 : i32
    %lt3A_197 = arith.constant 200 : i32
    %lt3A_198 = arith.cmpi slt, %add3A_196, %lt3A_197 : i32
    %jit3A_199 = arith.constant 0.000000e+00 : f32
    %select_n3A_200 = arith.select %lt3A_198, %max3A_192, %jit3A_199 : f32
    %add3A_201 = arith.addf %add3A_133, %select_n3A_200 : f32
    %get3A_202 = arith.constant 3 : i32
    %get3A_203 = arith.index_cast %get3A_202 : i32 to index
    %get3A_204 = arith.constant 0 : index
    %get3A_205 = tpu.vector_load %arg7[%get3A_203, %get3A_204] {strides = array<i32>} : memref<32x64xf32, #tpu.memory_space<vmem>>, vector<16xf32>,
    %get3A_206 = arith.constant 19 : i32
    %get3A_207 = arith.index_cast %get3A_206 : i32 to index
    %get3A_208 = arith.constant 0 : index
    %get3A_209 = tpu.vector_load %arg7[%get3A_207, %get3A_208] {strides = array<i32>} : memref<32x64xf32, #tpu.memory_space<vmem>>, vector<16xf32>,
    %sub3A_210 = arith.subf %get3A_205, %get3A_209 : vector<16xf32>
    %get3A_211 = arith.constant 0 : index
    %get3A_212 = tpu.vector_load %arg8[%get3A_211] {strides = array<i32>} : memref<64xf32, #tpu.memory_space<vmem>>, vector<16xf32>,
    %mul3A_213 = arith.mulf %sub3A_210, %get3A_212 : vector<16xf32>
    %get3A_214 = arith.constant 3 : i32
    %get3A_215 = arith.index_cast %get3A_214 : i32 to index
    %get3A_216 = arith.constant 16 : index
    %get3A_217 = tpu.vector_load %arg7[%get3A_215, %get3A_216] {strides = array<i32>} : memref<32x64xf32, #tpu.memory_space<vmem>>, vector<16xf32>,
    %get3A_218 = arith.constant 19 : i32
    %get3A_219 = arith.index_cast %get3A_218 : i32 to index
    %get3A_220 = arith.constant 16 : index
    %get3A_221 = tpu.vector_load %arg7[%get3A_219, %get3A_220] {strides = array<i32>} : memref<32x64xf32, #tpu.memory_space<vmem>>, vector<16xf32>,
    %sub3A_222 = arith.subf %get3A_217, %get3A_221 : vector<16xf32>
    %get3A_223 = arith.constant 16 : index
    %get3A_224 = tpu.vector_load %arg8[%get3A_223] {strides = array<i32>} : memref<64xf32, #tpu.memory_space<vmem>>, vector<16xf32>,
    %mul3A_225 = arith.mulf %sub3A_222, %get3A_224 : vector<16xf32>
    %add3A_226 = arith.addf %mul3A_213, %mul3A_225 : vector<16xf32>
    %get3A_227 = arith.constant 3 : i32
    %get3A_228 = arith.index_cast %get3A_227 : i32 to index
    %get3A_229 = arith.constant 32 : index
    %get3A_230 = tpu.vector_load %arg7[%get3A_228, %get3A_229] {strides = array<i32>} : memref<32x64xf32, #tpu.memory_space<vmem>>, vector<16xf32>,
    %get3A_231 = arith.constant 19 : i32
    %get3A_232 = arith.index_cast %get3A_231 : i32 to index
    %get3A_233 = arith.constant 32 : index
    %get3A_234 = tpu.vector_load %arg7[%get3A_232, %get3A_233] {strides = array<i32>} : memref<32x64xf32, #tpu.memory_space<vmem>>, vector<16xf32>,
    %sub3A_235 = arith.subf %get3A_230, %get3A_234 : vector<16xf32>
    %get3A_236 = arith.constant 32 : index
    %get3A_237 = tpu.vector_load %arg8[%get3A_236] {strides = array<i32>} : memref<64xf32, #tpu.memory_space<vmem>>, vector<16xf32>,
    %mul3A_238 = arith.mulf %sub3A_235, %get3A_237 : vector<16xf32>
    %add3A_239 = arith.addf %add3A_226, %mul3A_238 : vector<16xf32>
    %get3A_240 = arith.constant 3 : i32
    %get3A_241 = arith.index_cast %get3A_240 : i32 to index
    %get3A_242 = arith.constant 48 : index
    %get3A_243 = tpu.vector_load %arg7[%get3A_241, %get3A_242] {strides = array<i32>} : memref<32x64xf32, #tpu.memory_space<vmem>>, vector<16xf32>,
    %get3A_244 = arith.constant 19 : i32
    %get3A_245 = arith.index_cast %get3A_244 : i32 to index
    %get3A_246 = arith.constant 48 : index
    %get3A_247 = tpu.vector_load %arg7[%get3A_245, %get3A_246] {strides = array<i32>} : memref<32x64xf32, #tpu.memory_space<vmem>>, vector<16xf32>,
    %sub3A_248 = arith.subf %get3A_243, %get3A_247 : vector<16xf32>
    %get3A_249 = arith.constant 48 : index
    %get3A_250 = tpu.vector_load %arg8[%get3A_249] {strides = array<i32>} : memref<64xf32, #tpu.memory_space<vmem>>, vector<16xf32>,
    %mul3A_251 = arith.mulf %sub3A_248, %get3A_250 : vector<16xf32>
    %add3A_252 = arith.addf %add3A_239, %mul3A_251 : vector<16xf32>
    %reduce_sum3A_253 = arith.constant true
    %reduce_sum3A_254 = vector.broadcast %reduce_sum3A_253 : i1 to vector<16xi1>
    %reduce_sum3A_255 = tpu.scan <sum>, %add3A_252 masked %reduce_sum3A_254 : vector<16xf32>, vector<16xi1> -> vector<16xf32>
    %reduce_sum3A_256 = vector.extract %reduce_sum3A_255[15] : f32 from vector<16xf32>
    %sub3A_257 = arith.constant 1.000000e+00 : f32
    %sub3A_258 = arith.subf %sub3A_257, %reduce_sum3A_256 : f32
    %max3A_259 = arith.constant 0.000000e+00 : f32
    %max3A_260 = arith.maximumf %max3A_259, %sub3A_258 : f32
    %mul3A_261 = arith.constant 16 : i32
    %mul3A_262 = arith.muli %arg1, %mul3A_261 : i32
    %add3A_263 = arith.constant 3 : i32
    %add3A_264 = arith.addi %mul3A_262, %add3A_263 : i32
    %lt3A_265 = arith.constant 200 : i32
    %lt3A_266 = arith.cmpi slt, %add3A_264, %lt3A_265 : i32
    %jit3A_267 = arith.constant 0.000000e+00 : f32
    %select_n3A_268 = arith.select %lt3A_266, %max3A_260, %jit3A_267 : f32
    %add3A_269 = arith.addf %add3A_201, %select_n3A_268 : f32
    %get3A_270 = arith.constant 4 : i32
    %get3A_271 = arith.index_cast %get3A_270 : i32 to index
    %get3A_272 = arith.constant 0 : index
    %get3A_273 = tpu.vector_load %arg7[%get3A_271, %get3A_272] {strides = array<i32>} : memref<32x64xf32, #tpu.memory_space<vmem>>, vector<16xf32>,
    %get3A_274 = arith.constant 20 : i32
    %get3A_275 = arith.index_cast %get3A_274 : i32 to index
    %get3A_276 = arith.constant 0 : index
    %get3A_277 = tpu.vector_load %arg7[%get3A_275, %get3A_276] {strides = array<i32>} : memref<32x64xf32, #tpu.memory_space<vmem>>, vector<16xf32>,
    %sub3A_278 = arith.subf %get3A_273, %get3A_277 : vector<16xf32>
    %get3A_279 = arith.constant 0 : index
    %get3A_280 = tpu.vector_load %arg8[%get3A_279] {strides = array<i32>} : memref<64xf32, #tpu.memory_space<vmem>>, vector<16xf32>,
    %mul3A_281 = arith.mulf %sub3A_278, %get3A_280 : vector<16xf32>
    %get3A_282 = arith.constant 4 : i32
    %get3A_283 = arith.index_cast %get3A_282 : i32 to index
    %get3A_284 = arith.constant 16 : index
    %get3A_285 = tpu.vector_load %arg7[%get3A_283, %get3A_284] {strides = array<i32>} : memref<32x64xf32, #tpu.memory_space<vmem>>, vector<16xf32>,
    %get3A_286 = arith.constant 20 : i32
    %get3A_287 = arith.index_cast %get3A_286 : i32 to index
    %get3A_288 = arith.constant 16 : index
    %get3A_289 = tpu.vector_load %arg7[%get3A_287, %get3A_288] {strides = array<i32>} : memref<32x64xf32, #tpu.memory_space<vmem>>, vector<16xf32>,
    %sub3A_290 = arith.subf %get3A_285, %get3A_289 : vector<16xf32>
    %get3A_291 = arith.constant 16 : index
    %get3A_292 = tpu.vector_load %arg8[%get3A_291] {strides = array<i32>} : memref<64xf32, #tpu.memory_space<vmem>>, vector<16xf32>,
    %mul3A_293 = arith.mulf %sub3A_290, %get3A_292 : vector<16xf32>
    %add3A_294 = arith.addf %mul3A_281, %mul3A_293 : vector<16xf32>
    %get3A_295 = arith.constant 4 : i32
    %get3A_296 = arith.index_cast %get3A_295 : i32 to index
    %get3A_297 = arith.constant 32 : index
    %get3A_298 = tpu.vector_load %arg7[%get3A_296, %get3A_297] {strides = array<i32>} : memref<32x64xf32, #tpu.memory_space<vmem>>, vector<16xf32>,
    %get3A_299 = arith.constant 20 : i32
    %get3A_300 = arith.index_cast %get3A_299 : i32 to index
    %get3A_301 = arith.constant 32 : index
    %get3A_302 = tpu.vector_load %arg7[%get3A_300, %get3A_301] {strides = array<i32>} : memref<32x64xf32, #tpu.memory_space<vmem>>, vector<16xf32>,
    %sub3A_303 = arith.subf %get3A_298, %get3A_302 : vector<16xf32>
    %get3A_304 = arith.constant 32 : index
    %get3A_305 = tpu.vector_load %arg8[%get3A_304] {strides = array<i32>} : memref<64xf32, #tpu.memory_space<vmem>>, vector<16xf32>,
    %mul3A_306 = arith.mulf %sub3A_303, %get3A_305 : vector<16xf32>
    %add3A_307 = arith.addf %add3A_294, %mul3A_306 : vector<16xf32>
    %get3A_308 = arith.constant 4 : i32
    %get3A_309 = arith.index_cast %get3A_308 : i32 to index
    %get3A_310 = arith.constant 48 : index
    %get3A_311 = tpu.vector_load %arg7[%get3A_309, %get3A_310] {strides = array<i32>} : memref<32x64xf32, #tpu.memory_space<vmem>>, vector<16xf32>,
    %get3A_312 = arith.constant 20 : i32
    %get3A_313 = arith.index_cast %get3A_312 : i32 to index
    %get3A_314 = arith.constant 48 : index
    %get3A_315 = tpu.vector_load %arg7[%get3A_313, %get3A_314] {strides = array<i32>} : memref<32x64xf32, #tpu.memory_space<vmem>>, vector<16xf32>,
    %sub3A_316 = arith.subf %get3A_311, %get3A_315 : vector<16xf32>
    %get3A_317 = arith.constant 48 : index
    %get3A_318 = tpu.vector_load %arg8[%get3A_317] {strides = array<i32>} : memref<64xf32, #tpu.memory_space<vmem>>, vector<16xf32>,
    %mul3A_319 = arith.mulf %sub3A_316, %get3A_318 : vector<16xf32>
    %add3A_320 = arith.addf %add3A_307, %mul3A_319 : vector<16xf32>
    %reduce_sum3A_321 = arith.constant true
    %reduce_sum3A_322 = vector.broadcast %reduce_sum3A_321 : i1 to vector<16xi1>
    %reduce_sum3A_323 = tpu.scan <sum>, %add3A_320 masked %reduce_sum3A_322 : vector<16xf32>, vector<16xi1> -> vector<16xf32>
    %reduce_sum3A_324 = vector.extract %reduce_sum3A_323[15] : f32 from vector<16xf32>
    %sub3A_325 = arith.constant 1.000000e+00 : f32
    %sub3A_326 = arith.subf %sub3A_325, %reduce_sum3A_324 : f32
    %max3A_327 = arith.constant 0.000000e+00 : f32
    %max3A_328 = arith.maximumf %max3A_327, %sub3A_326 : f32
    %mul3A_329 = arith.constant 16 : i32
    %mul3A_330 = arith.muli %arg1, %mul3A_329 : i32
    %add3A_331 = arith.constant 4 : i32
    %add3A_332 = arith.addi %mul3A_330, %add3A_331 : i32
    %lt3A_333 = arith.constant 200 : i32
    %lt3A_334 = arith.cmpi slt, %add3A_332, %lt3A_333 : i32
    %jit3A_335 = arith.constant 0.000000e+00 : f32
    %select_n3A_336 = arith.select %lt3A_334, %max3A_328, %jit3A_335 : f32
    %add3A_337 = arith.addf %add3A_269, %select_n3A_336 : f32
    %get3A_338 = arith.constant 5 : i32
    %get3A_339 = arith.index_cast %get3A_338 : i32 to index
    %get3A_340 = arith.constant 0 : index
    %get3A_341 = tpu.vector_load %arg7[%get3A_339, %get3A_340] {strides = array<i32>} : memref<32x64xf32, #tpu.memory_space<vmem>>, vector<16xf32>,
    %get3A_342 = arith.constant 21 : i32
    %get3A_343 = arith.index_cast %get3A_342 : i32 to index
    %get3A_344 = arith.constant 0 : index
    %get3A_345 = tpu.vector_load %arg7[%get3A_343, %get3A_344] {strides = array<i32>} : memref<32x64xf32, #tpu.memory_space<vmem>>, vector<16xf32>,
    %sub3A_346 = arith.subf %get3A_341, %get3A_345 : vector<16xf32>
    %get3A_347 = arith.constant 0 : index
    %get3A_348 = tpu.vector_load %arg8[%get3A_347] {strides = array<i32>} : memref<64xf32, #tpu.memory_space<vmem>>, vector<16xf32>,
    %mul3A_349 = arith.mulf %sub3A_346, %get3A_348 : vector<16xf32>
    %get3A_350 = arith.constant 5 : i32
    %get3A_351 = arith.index_cast %get3A_350 : i32 to index
    %get3A_352 = arith.constant 16 : index
    %get3A_353 = tpu.vector_load %arg7[%get3A_351, %get3A_352] {strides = array<i32>} : memref<32x64xf32, #tpu.memory_space<vmem>>, vector<16xf32>,
    %get3A_354 = arith.constant 21 : i32
    %get3A_355 = arith.index_cast %get3A_354 : i32 to index
    %get3A_356 = arith.constant 16 : index
    %get3A_357 = tpu.vector_load %arg7[%get3A_355, %get3A_356] {strides = array<i32>} : memref<32x64xf32, #tpu.memory_space<vmem>>, vector<16xf32>,
    %sub3A_358 = arith.subf %get3A_353, %get3A_357 : vector<16xf32>
    %get3A_359 = arith.constant 16 : index
    %get3A_360 = tpu.vector_load %arg8[%get3A_359] {strides = array<i32>} : memref<64xf32, #tpu.memory_space<vmem>>, vector<16xf32>,
    %mul3A_361 = arith.mulf %sub3A_358, %get3A_360 : vector<16xf32>
    %add3A_362 = arith.addf %mul3A_349, %mul3A_361 : vector<16xf32>
    %get3A_363 = arith.constant 5 : i32
    %get3A_364 = arith.index_cast %get3A_363 : i32 to index
    %get3A_365 = arith.constant 32 : index
    %get3A_366 = tpu.vector_load %arg7[%get3A_364, %get3A_365] {strides = array<i32>} : memref<32x64xf32, #tpu.memory_space<vmem>>, vector<16xf32>,
    %get3A_367 = arith.constant 21 : i32
    %get3A_368 = arith.index_cast %get3A_367 : i32 to index
    %get3A_369 = arith.constant 32 : index
    %get3A_370 = tpu.vector_load %arg7[%get3A_368, %get3A_369] {strides = array<i32>} : memref<32x64xf32, #tpu.memory_space<vmem>>, vector<16xf32>,
    %sub3A_371 = arith.subf %get3A_366, %get3A_370 : vector<16xf32>
    %get3A_372 = arith.constant 32 : index
    %get3A_373 = tpu.vector_load %arg8[%get3A_372] {strides = array<i32>} : memref<64xf32, #tpu.memory_space<vmem>>, vector<16xf32>,
    %mul3A_374 = arith.mulf %sub3A_371, %get3A_373 : vector<16xf32>
    %add3A_375 = arith.addf %add3A_362, %mul3A_374 : vector<16xf32>
    %get3A_376 = arith.constant 5 : i32
    %get3A_377 = arith.index_cast %get3A_376 : i32 to index
    %get3A_378 = arith.constant 48 : index
    %get3A_379 = tpu.vector_load %arg7[%get3A_377, %get3A_378] {strides = array<i32>} : memref<32x64xf32, #tpu.memory_space<vmem>>, vector<16xf32>,
    %get3A_380 = arith.constant 21 : i32
    %get3A_381 = arith.index_cast %get3A_380 : i32 to index
    %get3A_382 = arith.constant 48 : index
    %get3A_383 = tpu.vector_load %arg7[%get3A_381, %get3A_382] {strides = array<i32>} : memref<32x64xf32, #tpu.memory_space<vmem>>, vector<16xf32>,
    %sub3A_384 = arith.subf %get3A_379, %get3A_383 : vector<16xf32>
    %get3A_385 = arith.constant 48 : index
    %get3A_386 = tpu.vector_load %arg8[%get3A_385] {strides = array<i32>} : memref<64xf32, #tpu.memory_space<vmem>>, vector<16xf32>,
    %mul3A_387 = arith.mulf %sub3A_384, %get3A_386 : vector<16xf32>
    %add3A_388 = arith.addf %add3A_375, %mul3A_387 : vector<16xf32>
    %reduce_sum3A_389 = arith.constant true
    %reduce_sum3A_390 = vector.broadcast %reduce_sum3A_389 : i1 to vector<16xi1>
    %reduce_sum3A_391 = tpu.scan <sum>, %add3A_388 masked %reduce_sum3A_390 : vector<16xf32>, vector<16xi1> -> vector<16xf32>
    %reduce_sum3A_392 = vector.extract %reduce_sum3A_391[15] : f32 from vector<16xf32>
    %sub3A_393 = arith.constant 1.000000e+00 : f32
    %sub3A_394 = arith.subf %sub3A_393, %reduce_sum3A_392 : f32
    %max3A_395 = arith.constant 0.000000e+00 : f32
    %max3A_396 = arith.maximumf %max3A_395, %sub3A_394 : f32
    %mul3A_397 = arith.constant 16 : i32
    %mul3A_398 = arith.muli %arg1, %mul3A_397 : i32
    %add3A_399 = arith.constant 5 : i32
    %add3A_400 = arith.addi %mul3A_398, %add3A_399 : i32
    %lt3A_401 = arith.constant 200 : i32
    %lt3A_402 = arith.cmpi slt, %add3A_400, %lt3A_401 : i32
    %jit3A_403 = arith.constant 0.000000e+00 : f32
    %select_n3A_404 = arith.select %lt3A_402, %max3A_396, %jit3A_403 : f32
    %add3A_405 = arith.addf %add3A_337, %select_n3A_404 : f32
    %get3A_406 = arith.constant 6 : i32
    %get3A_407 = arith.index_cast %get3A_406 : i32 to index
    %get3A_408 = arith.constant 0 : index
    %get3A_409 = tpu.vector_load %arg7[%get3A_407, %get3A_408] {strides = array<i32>} : memref<32x64xf32, #tpu.memory_space<vmem>>, vector<16xf32>,
    %get3A_410 = arith.constant 22 : i32
    %get3A_411 = arith.index_cast %get3A_410 : i32 to index
    %get3A_412 = arith.constant 0 : index
    %get3A_413 = tpu.vector_load %arg7[%get3A_411, %get3A_412] {strides = array<i32>} : memref<32x64xf32, #tpu.memory_space<vmem>>, vector<16xf32>,
    %sub3A_414 = arith.subf %get3A_409, %get3A_413 : vector<16xf32>
    %get3A_415 = arith.constant 0 : index
    %get3A_416 = tpu.vector_load %arg8[%get3A_415] {strides = array<i32>} : memref<64xf32, #tpu.memory_space<vmem>>, vector<16xf32>,
    %mul3A_417 = arith.mulf %sub3A_414, %get3A_416 : vector<16xf32>
    %get3A_418 = arith.constant 6 : i32
    %get3A_419 = arith.index_cast %get3A_418 : i32 to index
    %get3A_420 = arith.constant 16 : index
    %get3A_421 = tpu.vector_load %arg7[%get3A_419, %get3A_420] {strides = array<i32>} : memref<32x64xf32, #tpu.memory_space<vmem>>, vector<16xf32>,
    %get3A_422 = arith.constant 22 : i32
    %get3A_423 = arith.index_cast %get3A_422 : i32 to index
    %get3A_424 = arith.constant 16 : index
    %get3A_425 = tpu.vector_load %arg7[%get3A_423, %get3A_424] {strides = array<i32>} : memref<32x64xf32, #tpu.memory_space<vmem>>, vector<16xf32>,
    %sub3A_426 = arith.subf %get3A_421, %get3A_425 : vector<16xf32>
    %get3A_427 = arith.constant 16 : index
    %get3A_428 = tpu.vector_load %arg8[%get3A_427] {strides = array<i32>} : memref<64xf32, #tpu.memory_space<vmem>>, vector<16xf32>,
    %mul3A_429 = arith.mulf %sub3A_426, %get3A_428 : vector<16xf32>
    %add3A_430 = arith.addf %mul3A_417, %mul3A_429 : vector<16xf32>
    %get3A_431 = arith.constant 6 : i32
    %get3A_432 = arith.index_cast %get3A_431 : i32 to index
    %get3A_433 = arith.constant 32 : index
    %get3A_434 = tpu.vector_load %arg7[%get3A_432, %get3A_433] {strides = array<i32>} : memref<32x64xf32, #tpu.memory_space<vmem>>, vector<16xf32>,
    %get3A_435 = arith.constant 22 : i32
    %get3A_436 = arith.index_cast %get3A_435 : i32 to index
    %get3A_437 = arith.constant 32 : index
    %get3A_438 = tpu.vector_load %arg7[%get3A_436, %get3A_437] {strides = array<i32>} : memref<32x64xf32, #tpu.memory_space<vmem>>, vector<16xf32>,
    %sub3A_439 = arith.subf %get3A_434, %get3A_438 : vector<16xf32>
    %get3A_440 = arith.constant 32 : index
    %get3A_441 = tpu.vector_load %arg8[%get3A_440] {strides = array<i32>} : memref<64xf32, #tpu.memory_space<vmem>>, vector<16xf32>,
    %mul3A_442 = arith.mulf %sub3A_439, %get3A_441 : vector<16xf32>
    %add3A_443 = arith.addf %add3A_430, %mul3A_442 : vector<16xf32>
    %get3A_444 = arith.constant 6 : i32
    %get3A_445 = arith.index_cast %get3A_444 : i32 to index
    %get3A_446 = arith.constant 48 : index
    %get3A_447 = tpu.vector_load %arg7[%get3A_445, %get3A_446] {strides = array<i32>} : memref<32x64xf32, #tpu.memory_space<vmem>>, vector<16xf32>,
    %get3A_448 = arith.constant 22 : i32
    %get3A_449 = arith.index_cast %get3A_448 : i32 to index
    %get3A_450 = arith.constant 48 : index
    %get3A_451 = tpu.vector_load %arg7[%get3A_449, %get3A_450] {strides = array<i32>} : memref<32x64xf32, #tpu.memory_space<vmem>>, vector<16xf32>,
    %sub3A_452 = arith.subf %get3A_447, %get3A_451 : vector<16xf32>
    %get3A_453 = arith.constant 48 : index
    %get3A_454 = tpu.vector_load %arg8[%get3A_453] {strides = array<i32>} : memref<64xf32, #tpu.memory_space<vmem>>, vector<16xf32>,
    %mul3A_455 = arith.mulf %sub3A_452, %get3A_454 : vector<16xf32>
    %add3A_456 = arith.addf %add3A_443, %mul3A_455 : vector<16xf32>
    %reduce_sum3A_457 = arith.constant true
    %reduce_sum3A_458 = vector.broadcast %reduce_sum3A_457 : i1 to vector<16xi1>
    %reduce_sum3A_459 = tpu.scan <sum>, %add3A_456 masked %reduce_sum3A_458 : vector<16xf32>, vector<16xi1> -> vector<16xf32>
    %reduce_sum3A_460 = vector.extract %reduce_sum3A_459[15] : f32 from vector<16xf32>
    %sub3A_461 = arith.constant 1.000000e+00 : f32
    %sub3A_462 = arith.subf %sub3A_461, %reduce_sum3A_460 : f32
    %max3A_463 = arith.constant 0.000000e+00 : f32
    %max3A_464 = arith.maximumf %max3A_463, %sub3A_462 : f32
    %mul3A_465 = arith.constant 16 : i32
    %mul3A_466 = arith.muli %arg1, %mul3A_465 : i32
    %add3A_467 = arith.constant 6 : i32
    %add3A_468 = arith.addi %mul3A_466, %add3A_467 : i32
    %lt3A_469 = arith.constant 200 : i32
    %lt3A_470 = arith.cmpi slt, %add3A_468, %lt3A_469 : i32
    %jit3A_471 = arith.constant 0.000000e+00 : f32
    %select_n3A_472 = arith.select %lt3A_470, %max3A_464, %jit3A_471 : f32
    %add3A_473 = arith.addf %add3A_405, %select_n3A_472 : f32
    %get3A_474 = arith.constant 7 : i32
    %get3A_475 = arith.index_cast %get3A_474 : i32 to index
    %get3A_476 = arith.constant 0 : index
    %get3A_477 = tpu.vector_load %arg7[%get3A_475, %get3A_476] {strides = array<i32>} : memref<32x64xf32, #tpu.memory_space<vmem>>, vector<16xf32>,
    %get3A_478 = arith.constant 23 : i32
    %get3A_479 = arith.index_cast %get3A_478 : i32 to index
    %get3A_480 = arith.constant 0 : index
    %get3A_481 = tpu.vector_load %arg7[%get3A_479, %get3A_480] {strides = array<i32>} : memref<32x64xf32, #tpu.memory_space<vmem>>, vector<16xf32>,
    %sub3A_482 = arith.subf %get3A_477, %get3A_481 : vector<16xf32>
    %get3A_483 = arith.constant 0 : index
    %get3A_484 = tpu.vector_load %arg8[%get3A_483] {strides = array<i32>} : memref<64xf32, #tpu.memory_space<vmem>>, vector<16xf32>,
    %mul3A_485 = arith.mulf %sub3A_482, %get3A_484 : vector<16xf32>
    %get3A_486 = arith.constant 7 : i32
    %get3A_487 = arith.index_cast %get3A_486 : i32 to index
    %get3A_488 = arith.constant 16 : index
    %get3A_489 = tpu.vector_load %arg7[%get3A_487, %get3A_488] {strides = array<i32>} : memref<32x64xf32, #tpu.memory_space<vmem>>, vector<16xf32>,
    %get3A_490 = arith.constant 23 : i32
    %get3A_491 = arith.index_cast %get3A_490 : i32 to index
    %get3A_492 = arith.constant 16 : index
    %get3A_493 = tpu.vector_load %arg7[%get3A_491, %get3A_492] {strides = array<i32>} : memref<32x64xf32, #tpu.memory_space<vmem>>, vector<16xf32>,
    %sub3A_494 = arith.subf %get3A_489, %get3A_493 : vector<16xf32>
    %get3A_495 = arith.constant 16 : index
    %get3A_496 = tpu.vector_load %arg8[%get3A_495] {strides = array<i32>} : memref<64xf32, #tpu.memory_space<vmem>>, vector<16xf32>,
    %mul3A_497 = arith.mulf %sub3A_494, %get3A_496 : vector<16xf32>
    %add3A_498 = arith.addf %mul3A_485, %mul3A_497 : vector<16xf32>
    %get3A_499 = arith.constant 7 : i32
    %get3A_500 = arith.index_cast %get3A_499 : i32 to index
    %get3A_501 = arith.constant 32 : index
    %get3A_502 = tpu.vector_load %arg7[%get3A_500, %get3A_501] {strides = array<i32>} : memref<32x64xf32, #tpu.memory_space<vmem>>, vector<16xf32>,
    %get3A_503 = arith.constant 23 : i32
    %get3A_504 = arith.index_cast %get3A_503 : i32 to index
    %get3A_505 = arith.constant 32 : index
    %get3A_506 = tpu.vector_load %arg7[%get3A_504, %get3A_505] {strides = array<i32>} : memref<32x64xf32, #tpu.memory_space<vmem>>, vector<16xf32>,
    %sub3A_507 = arith.subf %get3A_502, %get3A_506 : vector<16xf32>
    %get3A_508 = arith.constant 32 : index
    %get3A_509 = tpu.vector_load %arg8[%get3A_508] {strides = array<i32>} : memref<64xf32, #tpu.memory_space<vmem>>, vector<16xf32>,
    %mul3A_510 = arith.mulf %sub3A_507, %get3A_509 : vector<16xf32>
    %add3A_511 = arith.addf %add3A_498, %mul3A_510 : vector<16xf32>
    %get3A_512 = arith.constant 7 : i32
    %get3A_513 = arith.index_cast %get3A_512 : i32 to index
    %get3A_514 = arith.constant 48 : index
    %get3A_515 = tpu.vector_load %arg7[%get3A_513, %get3A_514] {strides = array<i32>} : memref<32x64xf32, #tpu.memory_space<vmem>>, vector<16xf32>,
    %get3A_516 = arith.constant 23 : i32
    %get3A_517 = arith.index_cast %get3A_516 : i32 to index
    %get3A_518 = arith.constant 48 : index
    %get3A_519 = tpu.vector_load %arg7[%get3A_517, %get3A_518] {strides = array<i32>} : memref<32x64xf32, #tpu.memory_space<vmem>>, vector<16xf32>,
    %sub3A_520 = arith.subf %get3A_515, %get3A_519 : vector<16xf32>
    %get3A_521 = arith.constant 48 : index
    %get3A_522 = tpu.vector_load %arg8[%get3A_521] {strides = array<i32>} : memref<64xf32, #tpu.memory_space<vmem>>, vector<16xf32>,
    %mul3A_523 = arith.mulf %sub3A_520, %get3A_522 : vector<16xf32>
    %add3A_524 = arith.addf %add3A_511, %mul3A_523 : vector<16xf32>
    %reduce_sum3A_525 = arith.constant true
    %reduce_sum3A_526 = vector.broadcast %reduce_sum3A_525 : i1 to vector<16xi1>
    %reduce_sum3A_527 = tpu.scan <sum>, %add3A_524 masked %reduce_sum3A_526 : vector<16xf32>, vector<16xi1> -> vector<16xf32>
    %reduce_sum3A_528 = vector.extract %reduce_sum3A_527[15] : f32 from vector<16xf32>
    %sub3A_529 = arith.constant 1.000000e+00 : f32
    %sub3A_530 = arith.subf %sub3A_529, %reduce_sum3A_528 : f32
    %max3A_531 = arith.constant 0.000000e+00 : f32
    %max3A_532 = arith.maximumf %max3A_531, %sub3A_530 : f32
    %mul3A_533 = arith.constant 16 : i32
    %mul3A_534 = arith.muli %arg1, %mul3A_533 : i32
    %add3A_535 = arith.constant 7 : i32
    %add3A_536 = arith.addi %mul3A_534, %add3A_535 : i32
    %lt3A_537 = arith.constant 200 : i32
    %lt3A_538 = arith.cmpi slt, %add3A_536, %lt3A_537 : i32
    %jit3A_539 = arith.constant 0.000000e+00 : f32
    %select_n3A_540 = arith.select %lt3A_538, %max3A_532, %jit3A_539 : f32
    %add3A_541 = arith.addf %add3A_473, %select_n3A_540 : f32
    %get3A_542 = arith.constant 8 : i32
    %get3A_543 = arith.index_cast %get3A_542 : i32 to index
    %get3A_544 = arith.constant 0 : index
    %get3A_545 = tpu.vector_load %arg7[%get3A_543, %get3A_544] {strides = array<i32>} : memref<32x64xf32, #tpu.memory_space<vmem>>, vector<16xf32>,
    %get3A_546 = arith.constant 24 : i32
    %get3A_547 = arith.index_cast %get3A_546 : i32 to index
    %get3A_548 = arith.constant 0 : index
    %get3A_549 = tpu.vector_load %arg7[%get3A_547, %get3A_548] {strides = array<i32>} : memref<32x64xf32, #tpu.memory_space<vmem>>, vector<16xf32>,
    %sub3A_550 = arith.subf %get3A_545, %get3A_549 : vector<16xf32>
    %get3A_551 = arith.constant 0 : index
    %get3A_552 = tpu.vector_load %arg8[%get3A_551] {strides = array<i32>} : memref<64xf32, #tpu.memory_space<vmem>>, vector<16xf32>,
    %mul3A_553 = arith.mulf %sub3A_550, %get3A_552 : vector<16xf32>
    %get3A_554 = arith.constant 8 : i32
    %get3A_555 = arith.index_cast %get3A_554 : i32 to index
    %get3A_556 = arith.constant 16 : index
    %get3A_557 = tpu.vector_load %arg7[%get3A_555, %get3A_556] {strides = array<i32>} : memref<32x64xf32, #tpu.memory_space<vmem>>, vector<16xf32>,
    %get3A_558 = arith.constant 24 : i32
    %get3A_559 = arith.index_cast %get3A_558 : i32 to index
    %get3A_560 = arith.constant 16 : index
    %get3A_561 = tpu.vector_load %arg7[%get3A_559, %get3A_560] {strides = array<i32>} : memref<32x64xf32, #tpu.memory_space<vmem>>, vector<16xf32>,
    %sub3A_562 = arith.subf %get3A_557, %get3A_561 : vector<16xf32>
    %get3A_563 = arith.constant 16 : index
    %get3A_564 = tpu.vector_load %arg8[%get3A_563] {strides = array<i32>} : memref<64xf32, #tpu.memory_space<vmem>>, vector<16xf32>,
    %mul3A_565 = arith.mulf %sub3A_562, %get3A_564 : vector<16xf32>
    %add3A_566 = arith.addf %mul3A_553, %mul3A_565 : vector<16xf32>
    %get3A_567 = arith.constant 8 : i32
    %get3A_568 = arith.index_cast %get3A_567 : i32 to index
    %get3A_569 = arith.constant 32 : index
    %get3A_570 = tpu.vector_load %arg7[%get3A_568, %get3A_569] {strides = array<i32>} : memref<32x64xf32, #tpu.memory_space<vmem>>, vector<16xf32>,
    %get3A_571 = arith.constant 24 : i32
    %get3A_572 = arith.index_cast %get3A_571 : i32 to index
    %get3A_573 = arith.constant 32 : index
    %get3A_574 = tpu.vector_load %arg7[%get3A_572, %get3A_573] {strides = array<i32>} : memref<32x64xf32, #tpu.memory_space<vmem>>, vector<16xf32>,
    %sub3A_575 = arith.subf %get3A_570, %get3A_574 : vector<16xf32>
    %get3A_576 = arith.constant 32 : index
    %get3A_577 = tpu.vector_load %arg8[%get3A_576] {strides = array<i32>} : memref<64xf32, #tpu.memory_space<vmem>>, vector<16xf32>,
    %mul3A_578 = arith.mulf %sub3A_575, %get3A_577 : vector<16xf32>
    %add3A_579 = arith.addf %add3A_566, %mul3A_578 : vector<16xf32>
    %get3A_580 = arith.constant 8 : i32
    %get3A_581 = arith.index_cast %get3A_580 : i32 to index
    %get3A_582 = arith.constant 48 : index
    %get3A_583 = tpu.vector_load %arg7[%get3A_581, %get3A_582] {strides = array<i32>} : memref<32x64xf32, #tpu.memory_space<vmem>>, vector<16xf32>,
    %get3A_584 = arith.constant 24 : i32
    %get3A_585 = arith.index_cast %get3A_584 : i32 to index
    %get3A_586 = arith.constant 48 : index
    %get3A_587 = tpu.vector_load %arg7[%get3A_585, %get3A_586] {strides = array<i32>} : memref<32x64xf32, #tpu.memory_space<vmem>>, vector<16xf32>,
    %sub3A_588 = arith.subf %get3A_583, %get3A_587 : vector<16xf32>
    %get3A_589 = arith.constant 48 : index
    %get3A_590 = tpu.vector_load %arg8[%get3A_589] {strides = array<i32>} : memref<64xf32, #tpu.memory_space<vmem>>, vector<16xf32>,
    %mul3A_591 = arith.mulf %sub3A_588, %get3A_590 : vector<16xf32>
    %add3A_592 = arith.addf %add3A_579, %mul3A_591 : vector<16xf32>
    %reduce_sum3A_593 = arith.constant true
    %reduce_sum3A_594 = vector.broadcast %reduce_sum3A_593 : i1 to vector<16xi1>
    %reduce_sum3A_595 = tpu.scan <sum>, %add3A_592 masked %reduce_sum3A_594 : vector<16xf32>, vector<16xi1> -> vector<16xf32>
    %reduce_sum3A_596 = vector.extract %reduce_sum3A_595[15] : f32 from vector<16xf32>
    %sub3A_597 = arith.constant 1.000000e+00 : f32
    %sub3A_598 = arith.subf %sub3A_597, %reduce_sum3A_596 : f32
    %max3A_599 = arith.constant 0.000000e+00 : f32
    %max3A_600 = arith.maximumf %max3A_599, %sub3A_598 : f32
    %mul3A_601 = arith.constant 16 : i32
    %mul3A_602 = arith.muli %arg1, %mul3A_601 : i32
    %add3A_603 = arith.constant 8 : i32
    %add3A_604 = arith.addi %mul3A_602, %add3A_603 : i32
    %lt3A_605 = arith.constant 200 : i32
    %lt3A_606 = arith.cmpi slt, %add3A_604, %lt3A_605 : i32
    %jit3A_607 = arith.constant 0.000000e+00 : f32
    %select_n3A_608 = arith.select %lt3A_606, %max3A_600, %jit3A_607 : f32
    %add3A_609 = arith.addf %add3A_541, %select_n3A_608 : f32
    %get3A_610 = arith.constant 9 : i32
    %get3A_611 = arith.index_cast %get3A_610 : i32 to index
    %get3A_612 = arith.constant 0 : index
    %get3A_613 = tpu.vector_load %arg7[%get3A_611, %get3A_612] {strides = array<i32>} : memref<32x64xf32, #tpu.memory_space<vmem>>, vector<16xf32>,
    %get3A_614 = arith.constant 25 : i32
    %get3A_615 = arith.index_cast %get3A_614 : i32 to index
    %get3A_616 = arith.constant 0 : index
    %get3A_617 = tpu.vector_load %arg7[%get3A_615, %get3A_616] {strides = array<i32>} : memref<32x64xf32, #tpu.memory_space<vmem>>, vector<16xf32>,
    %sub3A_618 = arith.subf %get3A_613, %get3A_617 : vector<16xf32>
    %get3A_619 = arith.constant 0 : index
    %get3A_620 = tpu.vector_load %arg8[%get3A_619] {strides = array<i32>} : memref<64xf32, #tpu.memory_space<vmem>>, vector<16xf32>,
    %mul3A_621 = arith.mulf %sub3A_618, %get3A_620 : vector<16xf32>
    %get3A_622 = arith.constant 9 : i32
    %get3A_623 = arith.index_cast %get3A_622 : i32 to index
    %get3A_624 = arith.constant 16 : index
    %get3A_625 = tpu.vector_load %arg7[%get3A_623, %get3A_624] {strides = array<i32>} : memref<32x64xf32, #tpu.memory_space<vmem>>, vector<16xf32>,
    %get3A_626 = arith.constant 25 : i32
    %get3A_627 = arith.index_cast %get3A_626 : i32 to index
    %get3A_628 = arith.constant 16 : index
    %get3A_629 = tpu.vector_load %arg7[%get3A_627, %get3A_628] {strides = array<i32>} : memref<32x64xf32, #tpu.memory_space<vmem>>, vector<16xf32>,
    %sub3A_630 = arith.subf %get3A_625, %get3A_629 : vector<16xf32>
    %get3A_631 = arith.constant 16 : index
    %get3A_632 = tpu.vector_load %arg8[%get3A_631] {strides = array<i32>} : memref<64xf32, #tpu.memory_space<vmem>>, vector<16xf32>,
    %mul3A_633 = arith.mulf %sub3A_630, %get3A_632 : vector<16xf32>
    %add3A_634 = arith.addf %mul3A_621, %mul3A_633 : vector<16xf32>
    %get3A_635 = arith.constant 9 : i32
    %get3A_636 = arith.index_cast %get3A_635 : i32 to index
    %get3A_637 = arith.constant 32 : index
    %get3A_638 = tpu.vector_load %arg7[%get3A_636, %get3A_637] {strides = array<i32>} : memref<32x64xf32, #tpu.memory_space<vmem>>, vector<16xf32>,
    %get3A_639 = arith.constant 25 : i32
    %get3A_640 = arith.index_cast %get3A_639 : i32 to index
    %get3A_641 = arith.constant 32 : index
    %get3A_642 = tpu.vector_load %arg7[%get3A_640, %get3A_641] {strides = array<i32>} : memref<32x64xf32, #tpu.memory_space<vmem>>, vector<16xf32>,
    %sub3A_643 = arith.subf %get3A_638, %get3A_642 : vector<16xf32>
    %get3A_644 = arith.constant 32 : index
    %get3A_645 = tpu.vector_load %arg8[%get3A_644] {strides = array<i32>} : memref<64xf32, #tpu.memory_space<vmem>>, vector<16xf32>,
    %mul3A_646 = arith.mulf %sub3A_643, %get3A_645 : vector<16xf32>
    %add3A_647 = arith.addf %add3A_634, %mul3A_646 : vector<16xf32>
    %get3A_648 = arith.constant 9 : i32
    %get3A_649 = arith.index_cast %get3A_648 : i32 to index
    %get3A_650 = arith.constant 48 : index
    %get3A_651 = tpu.vector_load %arg7[%get3A_649, %get3A_650] {strides = array<i32>} : memref<32x64xf32, #tpu.memory_space<vmem>>, vector<16xf32>,
    %get3A_652 = arith.constant 25 : i32
    %get3A_653 = arith.index_cast %get3A_652 : i32 to index
    %get3A_654 = arith.constant 48 : index
    %get3A_655 = tpu.vector_load %arg7[%get3A_653, %get3A_654] {strides = array<i32>} : memref<32x64xf32, #tpu.memory_space<vmem>>, vector<16xf32>,
    %sub3A_656 = arith.subf %get3A_651, %get3A_655 : vector<16xf32>
    %get3A_657 = arith.constant 48 : index
    %get3A_658 = tpu.vector_load %arg8[%get3A_657] {strides = array<i32>} : memref<64xf32, #tpu.memory_space<vmem>>, vector<16xf32>,
    %mul3A_659 = arith.mulf %sub3A_656, %get3A_658 : vector<16xf32>
    %add3A_660 = arith.addf %add3A_647, %mul3A_659 : vector<16xf32>
    %reduce_sum3A_661 = arith.constant true
    %reduce_sum3A_662 = vector.broadcast %reduce_sum3A_661 : i1 to vector<16xi1>
    %reduce_sum3A_663 = tpu.scan <sum>, %add3A_660 masked %reduce_sum3A_662 : vector<16xf32>, vector<16xi1> -> vector<16xf32>
    %reduce_sum3A_664 = vector.extract %reduce_sum3A_663[15] : f32 from vector<16xf32>
    %sub3A_665 = arith.constant 1.000000e+00 : f32
    %sub3A_666 = arith.subf %sub3A_665, %reduce_sum3A_664 : f32
    %max3A_667 = arith.constant 0.000000e+00 : f32
    %max3A_668 = arith.maximumf %max3A_667, %sub3A_666 : f32
    %mul3A_669 = arith.constant 16 : i32
    %mul3A_670 = arith.muli %arg1, %mul3A_669 : i32
    %add3A_671 = arith.constant 9 : i32
    %add3A_672 = arith.addi %mul3A_670, %add3A_671 : i32
    %lt3A_673 = arith.constant 200 : i32
    %lt3A_674 = arith.cmpi slt, %add3A_672, %lt3A_673 : i32
    %jit3A_675 = arith.constant 0.000000e+00 : f32
    %select_n3A_676 = arith.select %lt3A_674, %max3A_668, %jit3A_675 : f32
    %add3A_677 = arith.addf %add3A_609, %select_n3A_676 : f32
    %get3A_678 = arith.constant 10 : i32
    %get3A_679 = arith.index_cast %get3A_678 : i32 to index
    %get3A_680 = arith.constant 0 : index
    %get3A_681 = tpu.vector_load %arg7[%get3A_679, %get3A_680] {strides = array<i32>} : memref<32x64xf32, #tpu.memory_space<vmem>>, vector<16xf32>,
    %get3A_682 = arith.constant 26 : i32
    %get3A_683 = arith.index_cast %get3A_682 : i32 to index
    %get3A_684 = arith.constant 0 : index
    %get3A_685 = tpu.vector_load %arg7[%get3A_683, %get3A_684] {strides = array<i32>} : memref<32x64xf32, #tpu.memory_space<vmem>>, vector<16xf32>,
    %sub3A_686 = arith.subf %get3A_681, %get3A_685 : vector<16xf32>
    %get3A_687 = arith.constant 0 : index
    %get3A_688 = tpu.vector_load %arg8[%get3A_687] {strides = array<i32>} : memref<64xf32, #tpu.memory_space<vmem>>, vector<16xf32>,
    %mul3A_689 = arith.mulf %sub3A_686, %get3A_688 : vector<16xf32>
    %get3A_690 = arith.constant 10 : i32
    %get3A_691 = arith.index_cast %get3A_690 : i32 to index
    %get3A_692 = arith.constant 16 : index
    %get3A_693 = tpu.vector_load %arg7[%get3A_691, %get3A_692] {strides = array<i32>} : memref<32x64xf32, #tpu.memory_space<vmem>>, vector<16xf32>,
    %get3A_694 = arith.constant 26 : i32
    %get3A_695 = arith.index_cast %get3A_694 : i32 to index
    %get3A_696 = arith.constant 16 : index
    %get3A_697 = tpu.vector_load %arg7[%get3A_695, %get3A_696] {strides = array<i32>} : memref<32x64xf32, #tpu.memory_space<vmem>>, vector<16xf32>,
    %sub3A_698 = arith.subf %get3A_693, %get3A_697 : vector<16xf32>
    %get3A_699 = arith.constant 16 : index
    %get3A_700 = tpu.vector_load %arg8[%get3A_699] {strides = array<i32>} : memref<64xf32, #tpu.memory_space<vmem>>, vector<16xf32>,
    %mul3A_701 = arith.mulf %sub3A_698, %get3A_700 : vector<16xf32>
    %add3A_702 = arith.addf %mul3A_689, %mul3A_701 : vector<16xf32>
    %get3A_703 = arith.constant 10 : i32
    %get3A_704 = arith.index_cast %get3A_703 : i32 to index
    %get3A_705 = arith.constant 32 : index
    %get3A_706 = tpu.vector_load %arg7[%get3A_704, %get3A_705] {strides = array<i32>} : memref<32x64xf32, #tpu.memory_space<vmem>>, vector<16xf32>,
    %get3A_707 = arith.constant 26 : i32
    %get3A_708 = arith.index_cast %get3A_707 : i32 to index
    %get3A_709 = arith.constant 32 : index
    %get3A_710 = tpu.vector_load %arg7[%get3A_708, %get3A_709] {strides = array<i32>} : memref<32x64xf32, #tpu.memory_space<vmem>>, vector<16xf32>,
    %sub3A_711 = arith.subf %get3A_706, %get3A_710 : vector<16xf32>
    %get3A_712 = arith.constant 32 : index
    %get3A_713 = tpu.vector_load %arg8[%get3A_712] {strides = array<i32>} : memref<64xf32, #tpu.memory_space<vmem>>, vector<16xf32>,
    %mul3A_714 = arith.mulf %sub3A_711, %get3A_713 : vector<16xf32>
    %add3A_715 = arith.addf %add3A_702, %mul3A_714 : vector<16xf32>
    %get3A_716 = arith.constant 10 : i32
    %get3A_717 = arith.index_cast %get3A_716 : i32 to index
    %get3A_718 = arith.constant 48 : index
    %get3A_719 = tpu.vector_load %arg7[%get3A_717, %get3A_718] {strides = array<i32>} : memref<32x64xf32, #tpu.memory_space<vmem>>, vector<16xf32>,
    %get3A_720 = arith.constant 26 : i32
    %get3A_721 = arith.index_cast %get3A_720 : i32 to index
    %get3A_722 = arith.constant 48 : index
    %get3A_723 = tpu.vector_load %arg7[%get3A_721, %get3A_722] {strides = array<i32>} : memref<32x64xf32, #tpu.memory_space<vmem>>, vector<16xf32>,
    %sub3A_724 = arith.subf %get3A_719, %get3A_723 : vector<16xf32>
    %get3A_725 = arith.constant 48 : index
    %get3A_726 = tpu.vector_load %arg8[%get3A_725] {strides = array<i32>} : memref<64xf32, #tpu.memory_space<vmem>>, vector<16xf32>,
    %mul3A_727 = arith.mulf %sub3A_724, %get3A_726 : vector<16xf32>
    %add3A_728 = arith.addf %add3A_715, %mul3A_727 : vector<16xf32>
    %reduce_sum3A_729 = arith.constant true
    %reduce_sum3A_730 = vector.broadcast %reduce_sum3A_729 : i1 to vector<16xi1>
    %reduce_sum3A_731 = tpu.scan <sum>, %add3A_728 masked %reduce_sum3A_730 : vector<16xf32>, vector<16xi1> -> vector<16xf32>
    %reduce_sum3A_732 = vector.extract %reduce_sum3A_731[15] : f32 from vector<16xf32>
    %sub3A_733 = arith.constant 1.000000e+00 : f32
    %sub3A_734 = arith.subf %sub3A_733, %reduce_sum3A_732 : f32
    %max3A_735 = arith.constant 0.000000e+00 : f32
    %max3A_736 = arith.maximumf %max3A_735, %sub3A_734 : f32
    %mul3A_737 = arith.constant 16 : i32
    %mul3A_738 = arith.muli %arg1, %mul3A_737 : i32
    %add3A_739 = arith.constant 10 : i32
    %add3A_740 = arith.addi %mul3A_738, %add3A_739 : i32
    %lt3A_741 = arith.constant 200 : i32
    %lt3A_742 = arith.cmpi slt, %add3A_740, %lt3A_741 : i32
    %jit3A_743 = arith.constant 0.000000e+00 : f32
    %select_n3A_744 = arith.select %lt3A_742, %max3A_736, %jit3A_743 : f32
    %add3A_745 = arith.addf %add3A_677, %select_n3A_744 : f32
    %get3A_746 = arith.constant 11 : i32
    %get3A_747 = arith.index_cast %get3A_746 : i32 to index
    %get3A_748 = arith.constant 0 : index
    %get3A_749 = tpu.vector_load %arg7[%get3A_747, %get3A_748] {strides = array<i32>} : memref<32x64xf32, #tpu.memory_space<vmem>>, vector<16xf32>,
    %get3A_750 = arith.constant 27 : i32
    %get3A_751 = arith.index_cast %get3A_750 : i32 to index
    %get3A_752 = arith.constant 0 : index
    %get3A_753 = tpu.vector_load %arg7[%get3A_751, %get3A_752] {strides = array<i32>} : memref<32x64xf32, #tpu.memory_space<vmem>>, vector<16xf32>,
    %sub3A_754 = arith.subf %get3A_749, %get3A_753 : vector<16xf32>
    %get3A_755 = arith.constant 0 : index
    %get3A_756 = tpu.vector_load %arg8[%get3A_755] {strides = array<i32>} : memref<64xf32, #tpu.memory_space<vmem>>, vector<16xf32>,
    %mul3A_757 = arith.mulf %sub3A_754, %get3A_756 : vector<16xf32>
    %get3A_758 = arith.constant 11 : i32
    %get3A_759 = arith.index_cast %get3A_758 : i32 to index
    %get3A_760 = arith.constant 16 : index
    %get3A_761 = tpu.vector_load %arg7[%get3A_759, %get3A_760] {strides = array<i32>} : memref<32x64xf32, #tpu.memory_space<vmem>>, vector<16xf32>,
    %get3A_762 = arith.constant 27 : i32
    %get3A_763 = arith.index_cast %get3A_762 : i32 to index
    %get3A_764 = arith.constant 16 : index
    %get3A_765 = tpu.vector_load %arg7[%get3A_763, %get3A_764] {strides = array<i32>} : memref<32x64xf32, #tpu.memory_space<vmem>>, vector<16xf32>,
    %sub3A_766 = arith.subf %get3A_761, %get3A_765 : vector<16xf32>
    %get3A_767 = arith.constant 16 : index
    %get3A_768 = tpu.vector_load %arg8[%get3A_767] {strides = array<i32>} : memref<64xf32, #tpu.memory_space<vmem>>, vector<16xf32>,
    %mul3A_769 = arith.mulf %sub3A_766, %get3A_768 : vector<16xf32>
    %add3A_770 = arith.addf %mul3A_757, %mul3A_769 : vector<16xf32>
    %get3A_771 = arith.constant 11 : i32
    %get3A_772 = arith.index_cast %get3A_771 : i32 to index
    %get3A_773 = arith.constant 32 : index
    %get3A_774 = tpu.vector_load %arg7[%get3A_772, %get3A_773] {strides = array<i32>} : memref<32x64xf32, #tpu.memory_space<vmem>>, vector<16xf32>,
    %get3A_775 = arith.constant 27 : i32
    %get3A_776 = arith.index_cast %get3A_775 : i32 to index
    %get3A_777 = arith.constant 32 : index
    %get3A_778 = tpu.vector_load %arg7[%get3A_776, %get3A_777] {strides = array<i32>} : memref<32x64xf32, #tpu.memory_space<vmem>>, vector<16xf32>,
    %sub3A_779 = arith.subf %get3A_774, %get3A_778 : vector<16xf32>
    %get3A_780 = arith.constant 32 : index
    %get3A_781 = tpu.vector_load %arg8[%get3A_780] {strides = array<i32>} : memref<64xf32, #tpu.memory_space<vmem>>, vector<16xf32>,
    %mul3A_782 = arith.mulf %sub3A_779, %get3A_781 : vector<16xf32>
    %add3A_783 = arith.addf %add3A_770, %mul3A_782 : vector<16xf32>
    %get3A_784 = arith.constant 11 : i32
    %get3A_785 = arith.index_cast %get3A_784 : i32 to index
    %get3A_786 = arith.constant 48 : index
    %get3A_787 = tpu.vector_load %arg7[%get3A_785, %get3A_786] {strides = array<i32>} : memref<32x64xf32, #tpu.memory_space<vmem>>, vector<16xf32>,
    %get3A_788 = arith.constant 27 : i32
    %get3A_789 = arith.index_cast %get3A_788 : i32 to index
    %get3A_790 = arith.constant 48 : index
    %get3A_791 = tpu.vector_load %arg7[%get3A_789, %get3A_790] {strides = array<i32>} : memref<32x64xf32, #tpu.memory_space<vmem>>, vector<16xf32>,
    %sub3A_792 = arith.subf %get3A_787, %get3A_791 : vector<16xf32>
    %get3A_793 = arith.constant 48 : index
    %get3A_794 = tpu.vector_load %arg8[%get3A_793] {strides = array<i32>} : memref<64xf32, #tpu.memory_space<vmem>>, vector<16xf32>,
    %mul3A_795 = arith.mulf %sub3A_792, %get3A_794 : vector<16xf32>
    %add3A_796 = arith.addf %add3A_783, %mul3A_795 : vector<16xf32>
    %reduce_sum3A_797 = arith.constant true
    %reduce_sum3A_798 = vector.broadcast %reduce_sum3A_797 : i1 to vector<16xi1>
    %reduce_sum3A_799 = tpu.scan <sum>, %add3A_796 masked %reduce_sum3A_798 : vector<16xf32>, vector<16xi1> -> vector<16xf32>
    %reduce_sum3A_800 = vector.extract %reduce_sum3A_799[15] : f32 from vector<16xf32>
    %sub3A_801 = arith.constant 1.000000e+00 : f32
    %sub3A_802 = arith.subf %sub3A_801, %reduce_sum3A_800 : f32
    %max3A_803 = arith.constant 0.000000e+00 : f32
    %max3A_804 = arith.maximumf %max3A_803, %sub3A_802 : f32
    %mul3A_805 = arith.constant 16 : i32
    %mul3A_806 = arith.muli %arg1, %mul3A_805 : i32
    %add3A_807 = arith.constant 11 : i32
    %add3A_808 = arith.addi %mul3A_806, %add3A_807 : i32
    %lt3A_809 = arith.constant 200 : i32
    %lt3A_810 = arith.cmpi slt, %add3A_808, %lt3A_809 : i32
    %jit3A_811 = arith.constant 0.000000e+00 : f32
    %select_n3A_812 = arith.select %lt3A_810, %max3A_804, %jit3A_811 : f32
    %add3A_813 = arith.addf %add3A_745, %select_n3A_812 : f32
    %get3A_814 = arith.constant 12 : i32
    %get3A_815 = arith.index_cast %get3A_814 : i32 to index
    %get3A_816 = arith.constant 0 : index
    %get3A_817 = tpu.vector_load %arg7[%get3A_815, %get3A_816] {strides = array<i32>} : memref<32x64xf32, #tpu.memory_space<vmem>>, vector<16xf32>,
    %get3A_818 = arith.constant 28 : i32
    %get3A_819 = arith.index_cast %get3A_818 : i32 to index
    %get3A_820 = arith.constant 0 : index
    %get3A_821 = tpu.vector_load %arg7[%get3A_819, %get3A_820] {strides = array<i32>} : memref<32x64xf32, #tpu.memory_space<vmem>>, vector<16xf32>,
    %sub3A_822 = arith.subf %get3A_817, %get3A_821 : vector<16xf32>
    %get3A_823 = arith.constant 0 : index
    %get3A_824 = tpu.vector_load %arg8[%get3A_823] {strides = array<i32>} : memref<64xf32, #tpu.memory_space<vmem>>, vector<16xf32>,
    %mul3A_825 = arith.mulf %sub3A_822, %get3A_824 : vector<16xf32>
    %get3A_826 = arith.constant 12 : i32
    %get3A_827 = arith.index_cast %get3A_826 : i32 to index
    %get3A_828 = arith.constant 16 : index
    %get3A_829 = tpu.vector_load %arg7[%get3A_827, %get3A_828] {strides = array<i32>} : memref<32x64xf32, #tpu.memory_space<vmem>>, vector<16xf32>,
    %get3A_830 = arith.constant 28 : i32
    %get3A_831 = arith.index_cast %get3A_830 : i32 to index
    %get3A_832 = arith.constant 16 : index
    %get3A_833 = tpu.vector_load %arg7[%get3A_831, %get3A_832] {strides = array<i32>} : memref<32x64xf32, #tpu.memory_space<vmem>>, vector<16xf32>,
    %sub3A_834 = arith.subf %get3A_829, %get3A_833 : vector<16xf32>
    %get3A_835 = arith.constant 16 : index
    %get3A_836 = tpu.vector_load %arg8[%get3A_835] {strides = array<i32>} : memref<64xf32, #tpu.memory_space<vmem>>, vector<16xf32>,
    %mul3A_837 = arith.mulf %sub3A_834, %get3A_836 : vector<16xf32>
    %add3A_838 = arith.addf %mul3A_825, %mul3A_837 : vector<16xf32>
    %get3A_839 = arith.constant 12 : i32
    %get3A_840 = arith.index_cast %get3A_839 : i32 to index
    %get3A_841 = arith.constant 32 : index
    %get3A_842 = tpu.vector_load %arg7[%get3A_840, %get3A_841] {strides = array<i32>} : memref<32x64xf32, #tpu.memory_space<vmem>>, vector<16xf32>,
    %get3A_843 = arith.constant 28 : i32
    %get3A_844 = arith.index_cast %get3A_843 : i32 to index
    %get3A_845 = arith.constant 32 : index
    %get3A_846 = tpu.vector_load %arg7[%get3A_844, %get3A_845] {strides = array<i32>} : memref<32x64xf32, #tpu.memory_space<vmem>>, vector<16xf32>,
    %sub3A_847 = arith.subf %get3A_842, %get3A_846 : vector<16xf32>
    %get3A_848 = arith.constant 32 : index
    %get3A_849 = tpu.vector_load %arg8[%get3A_848] {strides = array<i32>} : memref<64xf32, #tpu.memory_space<vmem>>, vector<16xf32>,
    %mul3A_850 = arith.mulf %sub3A_847, %get3A_849 : vector<16xf32>
    %add3A_851 = arith.addf %add3A_838, %mul3A_850 : vector<16xf32>
    %get3A_852 = arith.constant 12 : i32
    %get3A_853 = arith.index_cast %get3A_852 : i32 to index
    %get3A_854 = arith.constant 48 : index
    %get3A_855 = tpu.vector_load %arg7[%get3A_853, %get3A_854] {strides = array<i32>} : memref<32x64xf32, #tpu.memory_space<vmem>>, vector<16xf32>,
    %get3A_856 = arith.constant 28 : i32
    %get3A_857 = arith.index_cast %get3A_856 : i32 to index
    %get3A_858 = arith.constant 48 : index
    %get3A_859 = tpu.vector_load %arg7[%get3A_857, %get3A_858] {strides = array<i32>} : memref<32x64xf32, #tpu.memory_space<vmem>>, vector<16xf32>,
    %sub3A_860 = arith.subf %get3A_855, %get3A_859 : vector<16xf32>
    %get3A_861 = arith.constant 48 : index
    %get3A_862 = tpu.vector_load %arg8[%get3A_861] {strides = array<i32>} : memref<64xf32, #tpu.memory_space<vmem>>, vector<16xf32>,
    %mul3A_863 = arith.mulf %sub3A_860, %get3A_862 : vector<16xf32>
    %add3A_864 = arith.addf %add3A_851, %mul3A_863 : vector<16xf32>
    %reduce_sum3A_865 = arith.constant true
    %reduce_sum3A_866 = vector.broadcast %reduce_sum3A_865 : i1 to vector<16xi1>
    %reduce_sum3A_867 = tpu.scan <sum>, %add3A_864 masked %reduce_sum3A_866 : vector<16xf32>, vector<16xi1> -> vector<16xf32>
    %reduce_sum3A_868 = vector.extract %reduce_sum3A_867[15] : f32 from vector<16xf32>
    %sub3A_869 = arith.constant 1.000000e+00 : f32
    %sub3A_870 = arith.subf %sub3A_869, %reduce_sum3A_868 : f32
    %max3A_871 = arith.constant 0.000000e+00 : f32
    %max3A_872 = arith.maximumf %max3A_871, %sub3A_870 : f32
    %mul3A_873 = arith.constant 16 : i32
    %mul3A_874 = arith.muli %arg1, %mul3A_873 : i32
    %add3A_875 = arith.constant 12 : i32
    %add3A_876 = arith.addi %mul3A_874, %add3A_875 : i32
    %lt3A_877 = arith.constant 200 : i32
    %lt3A_878 = arith.cmpi slt, %add3A_876, %lt3A_877 : i32
    %jit3A_879 = arith.constant 0.000000e+00 : f32
    %select_n3A_880 = arith.select %lt3A_878, %max3A_872, %jit3A_879 : f32
    %add3A_881 = arith.addf %add3A_813, %select_n3A_880 : f32
    %get3A_882 = arith.constant 13 : i32
    %get3A_883 = arith.index_cast %get3A_882 : i32 to index
    %get3A_884 = arith.constant 0 : index
    %get3A_885 = tpu.vector_load %arg7[%get3A_883, %get3A_884] {strides = array<i32>} : memref<32x64xf32, #tpu.memory_space<vmem>>, vector<16xf32>,
    %get3A_886 = arith.constant 29 : i32
    %get3A_887 = arith.index_cast %get3A_886 : i32 to index
    %get3A_888 = arith.constant 0 : index
    %get3A_889 = tpu.vector_load %arg7[%get3A_887, %get3A_888] {strides = array<i32>} : memref<32x64xf32, #tpu.memory_space<vmem>>, vector<16xf32>,
    %sub3A_890 = arith.subf %get3A_885, %get3A_889 : vector<16xf32>
    %get3A_891 = arith.constant 0 : index
    %get3A_892 = tpu.vector_load %arg8[%get3A_891] {strides = array<i32>} : memref<64xf32, #tpu.memory_space<vmem>>, vector<16xf32>,
    %mul3A_893 = arith.mulf %sub3A_890, %get3A_892 : vector<16xf32>
    %get3A_894 = arith.constant 13 : i32
    %get3A_895 = arith.index_cast %get3A_894 : i32 to index
    %get3A_896 = arith.constant 16 : index
    %get3A_897 = tpu.vector_load %arg7[%get3A_895, %get3A_896] {strides = array<i32>} : memref<32x64xf32, #tpu.memory_space<vmem>>, vector<16xf32>,
    %get3A_898 = arith.constant 29 : i32
    %get3A_899 = arith.index_cast %get3A_898 : i32 to index
    %get3A_900 = arith.constant 16 : index
    %get3A_901 = tpu.vector_load %arg7[%get3A_899, %get3A_900] {strides = array<i32>} : memref<32x64xf32, #tpu.memory_space<vmem>>, vector<16xf32>,
    %sub3A_902 = arith.subf %get3A_897, %get3A_901 : vector<16xf32>
    %get3A_903 = arith.constant 16 : index
    %get3A_904 = tpu.vector_load %arg8[%get3A_903] {strides = array<i32>} : memref<64xf32, #tpu.memory_space<vmem>>, vector<16xf32>,
    %mul3A_905 = arith.mulf %sub3A_902, %get3A_904 : vector<16xf32>
    %add3A_906 = arith.addf %mul3A_893, %mul3A_905 : vector<16xf32>
    %get3A_907 = arith.constant 13 : i32
    %get3A_908 = arith.index_cast %get3A_907 : i32 to index
    %get3A_909 = arith.constant 32 : index
    %get3A_910 = tpu.vector_load %arg7[%get3A_908, %get3A_909] {strides = array<i32>} : memref<32x64xf32, #tpu.memory_space<vmem>>, vector<16xf32>,
    %get3A_911 = arith.constant 29 : i32
    %get3A_912 = arith.index_cast %get3A_911 : i32 to index
    %get3A_913 = arith.constant 32 : index
    %get3A_914 = tpu.vector_load %arg7[%get3A_912, %get3A_913] {strides = array<i32>} : memref<32x64xf32, #tpu.memory_space<vmem>>, vector<16xf32>,
    %sub3A_915 = arith.subf %get3A_910, %get3A_914 : vector<16xf32>
    %get3A_916 = arith.constant 32 : index
    %get3A_917 = tpu.vector_load %arg8[%get3A_916] {strides = array<i32>} : memref<64xf32, #tpu.memory_space<vmem>>, vector<16xf32>,
    %mul3A_918 = arith.mulf %sub3A_915, %get3A_917 : vector<16xf32>
    %add3A_919 = arith.addf %add3A_906, %mul3A_918 : vector<16xf32>
    %get3A_920 = arith.constant 13 : i32
    %get3A_921 = arith.index_cast %get3A_920 : i32 to index
    %get3A_922 = arith.constant 48 : index
    %get3A_923 = tpu.vector_load %arg7[%get3A_921, %get3A_922] {strides = array<i32>} : memref<32x64xf32, #tpu.memory_space<vmem>>, vector<16xf32>,
    %get3A_924 = arith.constant 29 : i32
    %get3A_925 = arith.index_cast %get3A_924 : i32 to index
    %get3A_926 = arith.constant 48 : index
    %get3A_927 = tpu.vector_load %arg7[%get3A_925, %get3A_926] {strides = array<i32>} : memref<32x64xf32, #tpu.memory_space<vmem>>, vector<16xf32>,
    %sub3A_928 = arith.subf %get3A_923, %get3A_927 : vector<16xf32>
    %get3A_929 = arith.constant 48 : index
    %get3A_930 = tpu.vector_load %arg8[%get3A_929] {strides = array<i32>} : memref<64xf32, #tpu.memory_space<vmem>>, vector<16xf32>,
    %mul3A_931 = arith.mulf %sub3A_928, %get3A_930 : vector<16xf32>
    %add3A_932 = arith.addf %add3A_919, %mul3A_931 : vector<16xf32>
    %reduce_sum3A_933 = arith.constant true
    %reduce_sum3A_934 = vector.broadcast %reduce_sum3A_933 : i1 to vector<16xi1>
    %reduce_sum3A_935 = tpu.scan <sum>, %add3A_932 masked %reduce_sum3A_934 : vector<16xf32>, vector<16xi1> -> vector<16xf32>
    %reduce_sum3A_936 = vector.extract %reduce_sum3A_935[15] : f32 from vector<16xf32>
    %sub3A_937 = arith.constant 1.000000e+00 : f32
    %sub3A_938 = arith.subf %sub3A_937, %reduce_sum3A_936 : f32
    %max3A_939 = arith.constant 0.000000e+00 : f32
    %max3A_940 = arith.maximumf %max3A_939, %sub3A_938 : f32
    %mul3A_941 = arith.constant 16 : i32
    %mul3A_942 = arith.muli %arg1, %mul3A_941 : i32
    %add3A_943 = arith.constant 13 : i32
    %add3A_944 = arith.addi %mul3A_942, %add3A_943 : i32
    %lt3A_945 = arith.constant 200 : i32
    %lt3A_946 = arith.cmpi slt, %add3A_944, %lt3A_945 : i32
    %jit3A_947 = arith.constant 0.000000e+00 : f32
    %select_n3A_948 = arith.select %lt3A_946, %max3A_940, %jit3A_947 : f32
    %add3A_949 = arith.addf %add3A_881, %select_n3A_948 : f32
    %get3A_950 = arith.constant 14 : i32
    %get3A_951 = arith.index_cast %get3A_950 : i32 to index
    %get3A_952 = arith.constant 0 : index
    %get3A_953 = tpu.vector_load %arg7[%get3A_951, %get3A_952] {strides = array<i32>} : memref<32x64xf32, #tpu.memory_space<vmem>>, vector<16xf32>,
    %get3A_954 = arith.constant 30 : i32
    %get3A_955 = arith.index_cast %get3A_954 : i32 to index
    %get3A_956 = arith.constant 0 : index
    %get3A_957 = tpu.vector_load %arg7[%get3A_955, %get3A_956] {strides = array<i32>} : memref<32x64xf32, #tpu.memory_space<vmem>>, vector<16xf32>,
    %sub3A_958 = arith.subf %get3A_953, %get3A_957 : vector<16xf32>
    %get3A_959 = arith.constant 0 : index
    %get3A_960 = tpu.vector_load %arg8[%get3A_959] {strides = array<i32>} : memref<64xf32, #tpu.memory_space<vmem>>, vector<16xf32>,
    %mul3A_961 = arith.mulf %sub3A_958, %get3A_960 : vector<16xf32>
    %get3A_962 = arith.constant 14 : i32
    %get3A_963 = arith.index_cast %get3A_962 : i32 to index
    %get3A_964 = arith.constant 16 : index
    %get3A_965 = tpu.vector_load %arg7[%get3A_963, %get3A_964] {strides = array<i32>} : memref<32x64xf32, #tpu.memory_space<vmem>>, vector<16xf32>,
    %get3A_966 = arith.constant 30 : i32
    %get3A_967 = arith.index_cast %get3A_966 : i32 to index
    %get3A_968 = arith.constant 16 : index
    %get3A_969 = tpu.vector_load %arg7[%get3A_967, %get3A_968] {strides = array<i32>} : memref<32x64xf32, #tpu.memory_space<vmem>>, vector<16xf32>,
    %sub3A_970 = arith.subf %get3A_965, %get3A_969 : vector<16xf32>
    %get3A_971 = arith.constant 16 : index
    %get3A_972 = tpu.vector_load %arg8[%get3A_971] {strides = array<i32>} : memref<64xf32, #tpu.memory_space<vmem>>, vector<16xf32>,
    %mul3A_973 = arith.mulf %sub3A_970, %get3A_972 : vector<16xf32>
    %add3A_974 = arith.addf %mul3A_961, %mul3A_973 : vector<16xf32>
    %get3A_975 = arith.constant 14 : i32
    %get3A_976 = arith.index_cast %get3A_975 : i32 to index
    %get3A_977 = arith.constant 32 : index
    %get3A_978 = tpu.vector_load %arg7[%get3A_976, %get3A_977] {strides = array<i32>} : memref<32x64xf32, #tpu.memory_space<vmem>>, vector<16xf32>,
    %get3A_979 = arith.constant 30 : i32
    %get3A_980 = arith.index_cast %get3A_979 : i32 to index
    %get3A_981 = arith.constant 32 : index
    %get3A_982 = tpu.vector_load %arg7[%get3A_980, %get3A_981] {strides = array<i32>} : memref<32x64xf32, #tpu.memory_space<vmem>>, vector<16xf32>,
    %sub3A_983 = arith.subf %get3A_978, %get3A_982 : vector<16xf32>
    %get3A_984 = arith.constant 32 : index
    %get3A_985 = tpu.vector_load %arg8[%get3A_984] {strides = array<i32>} : memref<64xf32, #tpu.memory_space<vmem>>, vector<16xf32>,
    %mul3A_986 = arith.mulf %sub3A_983, %get3A_985 : vector<16xf32>
    %add3A_987 = arith.addf %add3A_974, %mul3A_986 : vector<16xf32>
    %get3A_988 = arith.constant 14 : i32
    %get3A_989 = arith.index_cast %get3A_988 : i32 to index
    %get3A_990 = arith.constant 48 : index
    %get3A_991 = tpu.vector_load %arg7[%get3A_989, %get3A_990] {strides = array<i32>} : memref<32x64xf32, #tpu.memory_space<vmem>>, vector<16xf32>,
    %get3A_992 = arith.constant 30 : i32
    %get3A_993 = arith.index_cast %get3A_992 : i32 to index
    %get3A_994 = arith.constant 48 : index
    %get3A_995 = tpu.vector_load %arg7[%get3A_993, %get3A_994] {strides = array<i32>} : memref<32x64xf32, #tpu.memory_space<vmem>>, vector<16xf32>,
    %sub3A_996 = arith.subf %get3A_991, %get3A_995 : vector<16xf32>
    %get3A_997 = arith.constant 48 : index
    %get3A_998 = tpu.vector_load %arg8[%get3A_997] {strides = array<i32>} : memref<64xf32, #tpu.memory_space<vmem>>, vector<16xf32>,
    %mul3A_999 = arith.mulf %sub3A_996, %get3A_998 : vector<16xf32>
    %add3A_1000 = arith.addf %add3A_987, %mul3A_999 : vector<16xf32>
    %reduce_sum3A_1001 = arith.constant true
    %reduce_sum3A_1002 = vector.broadcast %reduce_sum3A_1001 : i1 to vector<16xi1>
    %reduce_sum3A_1003 = tpu.scan <sum>, %add3A_1000 masked %reduce_sum3A_1002 : vector<16xf32>, vector<16xi1> -> vector<16xf32>
    %reduce_sum3A_1004 = vector.extract %reduce_sum3A_1003[15] : f32 from vector<16xf32>
    %sub3A_1005 = arith.constant 1.000000e+00 : f32
    %sub3A_1006 = arith.subf %sub3A_1005, %reduce_sum3A_1004 : f32
    %max3A_1007 = arith.constant 0.000000e+00 : f32
    %max3A_1008 = arith.maximumf %max3A_1007, %sub3A_1006 : f32
    %mul3A_1009 = arith.constant 16 : i32
    %mul3A_1010 = arith.muli %arg1, %mul3A_1009 : i32
    %add3A_1011 = arith.constant 14 : i32
    %add3A_1012 = arith.addi %mul3A_1010, %add3A_1011 : i32
    %lt3A_1013 = arith.constant 200 : i32
    %lt3A_1014 = arith.cmpi slt, %add3A_1012, %lt3A_1013 : i32
    %jit3A_1015 = arith.constant 0.000000e+00 : f32
    %select_n3A_1016 = arith.select %lt3A_1014, %max3A_1008, %jit3A_1015 : f32
    %add3A_1017 = arith.addf %add3A_949, %select_n3A_1016 : f32
    %get3A_1018 = arith.constant 15 : i32
    %get3A_1019 = arith.index_cast %get3A_1018 : i32 to index
    %get3A_1020 = arith.constant 0 : index
    %get3A_1021 = tpu.vector_load %arg7[%get3A_1019, %get3A_1020] {strides = array<i32>} : memref<32x64xf32, #tpu.memory_space<vmem>>, vector<16xf32>,
    %get3A_1022 = arith.constant 31 : i32
    %get3A_1023 = arith.index_cast %get3A_1022 : i32 to index
    %get3A_1024 = arith.constant 0 : index
    %get3A_1025 = tpu.vector_load %arg7[%get3A_1023, %get3A_1024] {strides = array<i32>} : memref<32x64xf32, #tpu.memory_space<vmem>>, vector<16xf32>,
    %sub3A_1026 = arith.subf %get3A_1021, %get3A_1025 : vector<16xf32>
    %get3A_1027 = arith.constant 0 : index
    %get3A_1028 = tpu.vector_load %arg8[%get3A_1027] {strides = array<i32>} : memref<64xf32, #tpu.memory_space<vmem>>, vector<16xf32>,
    %mul3A_1029 = arith.mulf %sub3A_1026, %get3A_1028 : vector<16xf32>
    %get3A_1030 = arith.constant 15 : i32
    %get3A_1031 = arith.index_cast %get3A_1030 : i32 to index
    %get3A_1032 = arith.constant 16 : index
    %get3A_1033 = tpu.vector_load %arg7[%get3A_1031, %get3A_1032] {strides = array<i32>} : memref<32x64xf32, #tpu.memory_space<vmem>>, vector<16xf32>,
    %get3A_1034 = arith.constant 31 : i32
    %get3A_1035 = arith.index_cast %get3A_1034 : i32 to index
    %get3A_1036 = arith.constant 16 : index
    %get3A_1037 = tpu.vector_load %arg7[%get3A_1035, %get3A_1036] {strides = array<i32>} : memref<32x64xf32, #tpu.memory_space<vmem>>, vector<16xf32>,
    %sub3A_1038 = arith.subf %get3A_1033, %get3A_1037 : vector<16xf32>
    %get3A_1039 = arith.constant 16 : index
    %get3A_1040 = tpu.vector_load %arg8[%get3A_1039] {strides = array<i32>} : memref<64xf32, #tpu.memory_space<vmem>>, vector<16xf32>,
    %mul3A_1041 = arith.mulf %sub3A_1038, %get3A_1040 : vector<16xf32>
    %add3A_1042 = arith.addf %mul3A_1029, %mul3A_1041 : vector<16xf32>
    %get3A_1043 = arith.constant 15 : i32
    %get3A_1044 = arith.index_cast %get3A_1043 : i32 to index
    %get3A_1045 = arith.constant 32 : index
    %get3A_1046 = tpu.vector_load %arg7[%get3A_1044, %get3A_1045] {strides = array<i32>} : memref<32x64xf32, #tpu.memory_space<vmem>>, vector<16xf32>,
    %get3A_1047 = arith.constant 31 : i32
    %get3A_1048 = arith.index_cast %get3A_1047 : i32 to index
    %get3A_1049 = arith.constant 32 : index
    %get3A_1050 = tpu.vector_load %arg7[%get3A_1048, %get3A_1049] {strides = array<i32>} : memref<32x64xf32, #tpu.memory_space<vmem>>, vector<16xf32>,
    %sub3A_1051 = arith.subf %get3A_1046, %get3A_1050 : vector<16xf32>
    %get3A_1052 = arith.constant 32 : index
    %get3A_1053 = tpu.vector_load %arg8[%get3A_1052] {strides = array<i32>} : memref<64xf32, #tpu.memory_space<vmem>>, vector<16xf32>,
    %mul3A_1054 = arith.mulf %sub3A_1051, %get3A_1053 : vector<16xf32>
    %add3A_1055 = arith.addf %add3A_1042, %mul3A_1054 : vector<16xf32>
    %get3A_1056 = arith.constant 15 : i32
    %get3A_1057 = arith.index_cast %get3A_1056 : i32 to index
    %get3A_1058 = arith.constant 48 : index
    %get3A_1059 = tpu.vector_load %arg7[%get3A_1057, %get3A_1058] {strides = array<i32>} : memref<32x64xf32, #tpu.memory_space<vmem>>, vector<16xf32>,
    %get3A_1060 = arith.constant 31 : i32
    %get3A_1061 = arith.index_cast %get3A_1060 : i32 to index
    %get3A_1062 = arith.constant 48 : index
    %get3A_1063 = tpu.vector_load %arg7[%get3A_1061, %get3A_1062] {strides = array<i32>} : memref<32x64xf32, #tpu.memory_space<vmem>>, vector<16xf32>,
    %sub3A_1064 = arith.subf %get3A_1059, %get3A_1063 : vector<16xf32>
    %get3A_1065 = arith.constant 48 : index
    %get3A_1066 = tpu.vector_load %arg8[%get3A_1065] {strides = array<i32>} : memref<64xf32, #tpu.memory_space<vmem>>, vector<16xf32>,
    %mul3A_1067 = arith.mulf %sub3A_1064, %get3A_1066 : vector<16xf32>
    %add3A_1068 = arith.addf %add3A_1055, %mul3A_1067 : vector<16xf32>
    %reduce_sum3A_1069 = arith.constant true
    %reduce_sum3A_1070 = vector.broadcast %reduce_sum3A_1069 : i1 to vector<16xi1>
    %reduce_sum3A_1071 = tpu.scan <sum>, %add3A_1068 masked %reduce_sum3A_1070 : vector<16xf32>, vector<16xi1> -> vector<16xf32>
    %reduce_sum3A_1072 = vector.extract %reduce_sum3A_1071[15] : f32 from vector<16xf32>
    %sub3A_1073 = arith.constant 1.000000e+00 : f32
    %sub3A_1074 = arith.subf %sub3A_1073, %reduce_sum3A_1072 : f32
    %max3A_1075 = arith.constant 0.000000e+00 : f32
    %max3A_1076 = arith.maximumf %max3A_1075, %sub3A_1074 : f32
    %mul3A_1077 = arith.constant 16 : i32
    %mul3A_1078 = arith.muli %arg1, %mul3A_1077 : i32
    %add3A_1079 = arith.constant 15 : i32
    %add3A_1080 = arith.addi %mul3A_1078, %add3A_1079 : i32
    %lt3A_1081 = arith.constant 200 : i32
    %lt3A_1082 = arith.cmpi slt, %add3A_1080, %lt3A_1081 : i32
    %jit3A_1083 = arith.constant 0.000000e+00 : f32
    %select_n3A_1084 = arith.select %lt3A_1082, %max3A_1076, %jit3A_1083 : f32
    %add3A_1085 = arith.addf %add3A_1017, %select_n3A_1084 : f32
    %broadcast_in_dim3A = vector.broadcast %add3A_1085 : f32 to vector<16xf32>
    %swap3A = arith.constant 0 : index
    %swap3A_1086 = tpu.vector_load %arg9[%swap3A] {strides = array<i32>} : memref<16xf32, #tpu.memory_space<vmem>>, vector<16xf32>,
    tpu.vector_store %arg9[%swap3A], %broadcast_in_dim3A {strides = array<i32>} : memref<16xf32, #tpu.memory_space<vmem>>, vector<16xf32>,
    "tpu.region"() ({
      %run_scoped3A = tpu.sem_alloc : memref<!tpu.dma_semaphore, #tpu.memory_space<semaphore_mem>>
      %dma_start3A_1089 = arith.constant 0 : i32
      %dma_start3A_1090 = tpu.memref_slice %arg11[%arg1, %dma_start3A_1089] : memref<16x16xf32, #tpu.memory_space<vmem_shared>> -> memref<1x16xf32, #tpu.memory_space<vmem_shared>>
      %dma_start3A_1091 = tpu.memref_squeeze %dma_start3A_1090 : memref<1x16xf32, #tpu.memory_space<vmem_shared>> -> memref<16xf32, #tpu.memory_space<vmem_shared>>
      %dma_start3A_1092 = arith.constant 0 : i32
      %dma_start3A_1093 = tpu.memref_slice %arg11[%arg1, %dma_start3A_1092] : memref<16x16xf32, #tpu.memory_space<vmem_shared>> -> memref<1x16xf32, #tpu.memory_space<vmem_shared>>
      %dma_start3A_1094 = tpu.memref_squeeze %dma_start3A_1093 : memref<1x16xf32, #tpu.memory_space<vmem_shared>> -> memref<16xf32, #tpu.memory_space<vmem_shared>>
      tpu.enqueue_dma source(%arg9 : memref<16xf32, #tpu.memory_space<vmem>>) target(%dma_start3A_1094 : memref<16xf32, #tpu.memory_space<vmem_shared>>) target_semaphore(%run_scoped3A : memref<!tpu.dma_semaphore, #tpu.memory_space<semaphore_mem>>)
      %dma_wait3A_1095 = arith.constant 0 : i32
      %dma_wait3A_1096 = tpu.memref_slice %arg11[%arg1, %dma_wait3A_1095] : memref<16x16xf32, #tpu.memory_space<vmem_shared>> -> memref<1x16xf32, #tpu.memory_space<vmem_shared>>
      %dma_wait3A_1097 = tpu.memref_squeeze %dma_wait3A_1096 : memref<1x16xf32, #tpu.memory_space<vmem_shared>> -> memref<16xf32, #tpu.memory_space<vmem_shared>>
      %dma_wait3A_1098 = arith.constant 0 : i32
      %dma_wait3A_1099 = tpu.memref_slice %arg11[%arg1, %dma_wait3A_1098] : memref<16x16xf32, #tpu.memory_space<vmem_shared>> -> memref<1x16xf32, #tpu.memory_space<vmem_shared>>
      %dma_wait3A_1100 = tpu.memref_squeeze %dma_wait3A_1099 : memref<1x16xf32, #tpu.memory_space<vmem_shared>> -> memref<16xf32, #tpu.memory_space<vmem_shared>>
      tpu.wait_dma2 semaphore(%run_scoped3A : memref<!tpu.dma_semaphore, #tpu.memory_space<semaphore_mem>>) src(%arg9 : memref<16xf32, #tpu.memory_space<vmem>>) dst(%dma_wait3A_1100 : memref<16xf32, #tpu.memory_space<vmem_shared>>)
      tpu.yield
    }) : () -> ()
    %barrier3A = arith.constant 0 : index
    tpu.barrier barrier_id(%barrier3A)
    %eq3A = arith.constant 0 : i32
    %eq3A_1087 = arith.cmpi eq, %arg1, %eq3A : i32
    %convert_element_type3A = arith.extui %eq3A_1087 : i1 to i32
    %cond3A = arith.constant 0 : i32
    %cond3A_1088 = arith.cmpi ne, %convert_element_type3A, %cond3A : i32
    scf.if %cond3A_1088 {
      "tpu.region"() ({
        %run_scoped3A = tpu.sem_alloc : memref<!tpu.dma_semaphore, #tpu.memory_space<semaphore_mem>>
        tpu.enqueue_dma source(%arg11 : memref<16x16xf32, #tpu.memory_space<vmem_shared>>) target(%arg10 : memref<16x16xf32, #tpu.memory_space<vmem>>) target_semaphore(%run_scoped3A : memref<!tpu.dma_semaphore, #tpu.memory_space<semaphore_mem>>)
        tpu.wait_dma2 semaphore(%run_scoped3A : memref<!tpu.dma_semaphore, #tpu.memory_space<semaphore_mem>>) src(%arg11 : memref<16x16xf32, #tpu.memory_space<vmem_shared>>) dst(%arg10 : memref<16x16xf32, #tpu.memory_space<vmem>>)
        tpu.yield
      }) : () -> ()
      %get3A_1089 = arith.constant 0 : i32
      %get3A_1090 = arith.index_cast %get3A_1089 : i32 to index
      %get3A_1091 = arith.constant 0 : index
      %get3A_1092 = tpu.vector_load %arg10[%get3A_1090, %get3A_1091] {strides = array<i32>} : memref<16x16xf32, #tpu.memory_space<vmem>>, vector<16xf32>,
      %get3A_1093 = arith.constant 1 : i32
      %get3A_1094 = arith.index_cast %get3A_1093 : i32 to index
      %get3A_1095 = arith.constant 0 : index
      %get3A_1096 = tpu.vector_load %arg10[%get3A_1094, %get3A_1095] {strides = array<i32>} : memref<16x16xf32, #tpu.memory_space<vmem>>, vector<16xf32>,
      %add3A_1097 = arith.addf %get3A_1092, %get3A_1096 : vector<16xf32>
      %get3A_1098 = arith.constant 2 : i32
      %get3A_1099 = arith.index_cast %get3A_1098 : i32 to index
      %get3A_1100 = arith.constant 0 : index
      %get3A_1101 = tpu.vector_load %arg10[%get3A_1099, %get3A_1100] {strides = array<i32>} : memref<16x16xf32, #tpu.memory_space<vmem>>, vector<16xf32>,
      %add3A_1102 = arith.addf %add3A_1097, %get3A_1101 : vector<16xf32>
      %get3A_1103 = arith.constant 3 : i32
      %get3A_1104 = arith.index_cast %get3A_1103 : i32 to index
      %get3A_1105 = arith.constant 0 : index
      %get3A_1106 = tpu.vector_load %arg10[%get3A_1104, %get3A_1105] {strides = array<i32>} : memref<16x16xf32, #tpu.memory_space<vmem>>, vector<16xf32>,
      %add3A_1107 = arith.addf %add3A_1102, %get3A_1106 : vector<16xf32>
      %get3A_1108 = arith.constant 4 : i32
      %get3A_1109 = arith.index_cast %get3A_1108 : i32 to index
      %get3A_1110 = arith.constant 0 : index
      %get3A_1111 = tpu.vector_load %arg10[%get3A_1109, %get3A_1110] {strides = array<i32>} : memref<16x16xf32, #tpu.memory_space<vmem>>, vector<16xf32>,
      %add3A_1112 = arith.addf %add3A_1107, %get3A_1111 : vector<16xf32>
      %get3A_1113 = arith.constant 5 : i32
      %get3A_1114 = arith.index_cast %get3A_1113 : i32 to index
      %get3A_1115 = arith.constant 0 : index
      %get3A_1116 = tpu.vector_load %arg10[%get3A_1114, %get3A_1115] {strides = array<i32>} : memref<16x16xf32, #tpu.memory_space<vmem>>, vector<16xf32>,
      %add3A_1117 = arith.addf %add3A_1112, %get3A_1116 : vector<16xf32>
      %get3A_1118 = arith.constant 6 : i32
      %get3A_1119 = arith.index_cast %get3A_1118 : i32 to index
      %get3A_1120 = arith.constant 0 : index
      %get3A_1121 = tpu.vector_load %arg10[%get3A_1119, %get3A_1120] {strides = array<i32>} : memref<16x16xf32, #tpu.memory_space<vmem>>, vector<16xf32>,
      %add3A_1122 = arith.addf %add3A_1117, %get3A_1121 : vector<16xf32>
      %get3A_1123 = arith.constant 7 : i32
      %get3A_1124 = arith.index_cast %get3A_1123 : i32 to index
      %get3A_1125 = arith.constant 0 : index
      %get3A_1126 = tpu.vector_load %arg10[%get3A_1124, %get3A_1125] {strides = array<i32>} : memref<16x16xf32, #tpu.memory_space<vmem>>, vector<16xf32>,
      %add3A_1127 = arith.addf %add3A_1122, %get3A_1126 : vector<16xf32>
      %get3A_1128 = arith.constant 8 : i32
      %get3A_1129 = arith.index_cast %get3A_1128 : i32 to index
      %get3A_1130 = arith.constant 0 : index
      %get3A_1131 = tpu.vector_load %arg10[%get3A_1129, %get3A_1130] {strides = array<i32>} : memref<16x16xf32, #tpu.memory_space<vmem>>, vector<16xf32>,
      %add3A_1132 = arith.addf %add3A_1127, %get3A_1131 : vector<16xf32>
      %get3A_1133 = arith.constant 9 : i32
      %get3A_1134 = arith.index_cast %get3A_1133 : i32 to index
      %get3A_1135 = arith.constant 0 : index
      %get3A_1136 = tpu.vector_load %arg10[%get3A_1134, %get3A_1135] {strides = array<i32>} : memref<16x16xf32, #tpu.memory_space<vmem>>, vector<16xf32>,
      %add3A_1137 = arith.addf %add3A_1132, %get3A_1136 : vector<16xf32>
      %get3A_1138 = arith.constant 10 : i32
      %get3A_1139 = arith.index_cast %get3A_1138 : i32 to index
      %get3A_1140 = arith.constant 0 : index
      %get3A_1141 = tpu.vector_load %arg10[%get3A_1139, %get3A_1140] {strides = array<i32>} : memref<16x16xf32, #tpu.memory_space<vmem>>, vector<16xf32>,
      %add3A_1142 = arith.addf %add3A_1137, %get3A_1141 : vector<16xf32>
      %get3A_1143 = arith.constant 11 : i32
      %get3A_1144 = arith.index_cast %get3A_1143 : i32 to index
      %get3A_1145 = arith.constant 0 : index
      %get3A_1146 = tpu.vector_load %arg10[%get3A_1144, %get3A_1145] {strides = array<i32>} : memref<16x16xf32, #tpu.memory_space<vmem>>, vector<16xf32>,
      %add3A_1147 = arith.addf %add3A_1142, %get3A_1146 : vector<16xf32>
      %get3A_1148 = arith.constant 12 : i32
      %get3A_1149 = arith.index_cast %get3A_1148 : i32 to index
      %get3A_1150 = arith.constant 0 : index
      %get3A_1151 = tpu.vector_load %arg10[%get3A_1149, %get3A_1150] {strides = array<i32>} : memref<16x16xf32, #tpu.memory_space<vmem>>, vector<16xf32>,
      %add3A_1152 = arith.addf %add3A_1147, %get3A_1151 : vector<16xf32>
      %get3A_1153 = arith.constant 13 : i32
      %get3A_1154 = arith.index_cast %get3A_1153 : i32 to index
      %get3A_1155 = arith.constant 0 : index
      %get3A_1156 = tpu.vector_load %arg10[%get3A_1154, %get3A_1155] {strides = array<i32>} : memref<16x16xf32, #tpu.memory_space<vmem>>, vector<16xf32>,
      %add3A_1157 = arith.addf %add3A_1152, %get3A_1156 : vector<16xf32>
      %get3A_1158 = arith.constant 14 : i32
      %get3A_1159 = arith.index_cast %get3A_1158 : i32 to index
      %get3A_1160 = arith.constant 0 : index
      %get3A_1161 = tpu.vector_load %arg10[%get3A_1159, %get3A_1160] {strides = array<i32>} : memref<16x16xf32, #tpu.memory_space<vmem>>, vector<16xf32>,
      %add3A_1162 = arith.addf %add3A_1157, %get3A_1161 : vector<16xf32>
      %get3A_1163 = arith.constant 15 : i32
      %get3A_1164 = arith.index_cast %get3A_1163 : i32 to index
      %get3A_1165 = arith.constant 0 : index
      %get3A_1166 = tpu.vector_load %arg10[%get3A_1164, %get3A_1165] {strides = array<i32>} : memref<16x16xf32, #tpu.memory_space<vmem>>, vector<16xf32>,
      %add3A_1167 = arith.addf %add3A_1162, %get3A_1166 : vector<16xf32>
      %reduce_sum3A_1168 = arith.constant true
      %reduce_sum3A_1169 = vector.broadcast %reduce_sum3A_1168 : i1 to vector<16xi1>
      %reduce_sum3A_1170 = tpu.scan <sum>, %add3A_1167 masked %reduce_sum3A_1169 : vector<16xf32>, vector<16xi1> -> vector<16xf32>
      %reduce_sum3A_1171 = vector.extract %reduce_sum3A_1170[15] : f32 from vector<16xf32>
      %mul3A_1172 = arith.constant 3.125000e-04 : f32
      %mul3A_1173 = arith.mulf %reduce_sum3A_1171, %mul3A_1172 : f32
      %broadcast_in_dim3A_1174 = vector.broadcast %mul3A_1173 : f32 to vector<16xf32>
      %swap3A_1175 = arith.constant 0 : index
      %swap3A_1176 = tpu.vector_load %arg9[%swap3A_1175] {strides = array<i32>} : memref<16xf32, #tpu.memory_space<vmem>>, vector<16xf32>,
      tpu.vector_store %arg9[%swap3A_1175], %broadcast_in_dim3A_1174 {strides = array<i32>} : memref<16xf32, #tpu.memory_space<vmem>>, vector<16xf32>,
      "tpu.region"() ({
        %run_scoped3A = tpu.sem_alloc : memref<!tpu.dma_semaphore, #tpu.memory_space<semaphore_mem>>
        tpu.enqueue_dma source(%arg9 : memref<16xf32, #tpu.memory_space<vmem>>) target(%arg5 : memref<16xf32, #tpu.memory_space<hbm>>) target_semaphore(%run_scoped3A : memref<!tpu.dma_semaphore, #tpu.memory_space<semaphore_mem>>)
        tpu.wait_dma2 semaphore(%run_scoped3A : memref<!tpu.dma_semaphore, #tpu.memory_space<semaphore_mem>>) src(%arg9 : memref<16xf32, #tpu.memory_space<vmem>>) dst(%arg5 : memref<16xf32, #tpu.memory_space<hbm>>)
        tpu.yield
      }) : () -> ()
    } else {
    }
    return
  }
}

</mosaic_0001>

<sc_bundles>
// kernel: kernel.3.cloned.1.call-start
scs
__scs_entry_jumppad:
0x0: {  	(pc) =	sbr.rel $0x88, $3  }
0x1: {  	(tag) =	ssettag $0x0;
	lr =	simm.s32 $0x1  }
0x2: {  	[smem:$0x3F9D] =	sst lr;
	_ =	strace $0xD0000000  }
0x3: {  	_ = 	snop  }
0x4: {  	_ = 	snop  }
0x5: {  	_ = 	snop  }
0x6: {  	_ = 	snop  }
0x7: {  	_ = 	snop  }
__scs_overlays_trampoline_lowered:
0x8: {  	[smem:$0x3FAC] =	sst s0  }
0x9: {  	[smem:$0x3FAD] =	sst s1  }
0xa: {  	[smem:$0x3FAE] =	sst s2  }
0xb: {  	[smem:$0x3FAF] =	sst s3  }
0xc: {  	[smem:$0x3FB0] =	sst s4  }
0xd: {  	[smem:$0x3FB1] =	sst s5  }
0xe: {  	[smem:$0x3FB2] =	sst s6  }
0xf: {  	[smem:$0x3FB3] =	sst s7  }
0x10: {  	[smem:$0x3FB4] =	sst s8  }
0x11: {  	[smem:$0x3FB5] =	sst s9;
	s0 =	simm.s32 @!p0 $0x0  }
0x12: {  	s1 =	sld [smem:$0x3F9B];
	s0 =	simm.s32 @p0 $0x1  }
0x13: {  	[smem:$0x3FB6] =	sst s0;
	s0 =	simm.s32 @!p1 $0x0  }
0x14: {  	s2 =	sld [smem:$0x3F9A];
	s0 =	simm.s32 @p1 $0x1  }
0x15: {  	[smem:$0x3FB7] =	sst s0;
	s0 =	simm.s32 @!p2 $0x0  }
0x16: {  	s3 =	sld [smem:$0x3FDB];
	s0 =	simm.s32 @p2 $0x1  }
0x17: {  	s4 =	simm.s32 $0x1BF5;
	[smem:$0x3FB9] =	sst s0  }
0x18: {  	s0 =	sld [smem:$0x3F9C];
	_ =	swait.ge [sflag:s4], $0x0  }
0x19: {  	s7 =	sld [smem:$0x3F9D]  }
0x1a: {  	s8 =	sadd.s32 $0xFFFFE003, lr  }
0x1b: {  	s9 =	sadd.s32 $0xFFFFFEF7, lr;
	s5 =	simm.s32 $0xFFFFFFFF;
	p2 =	slt.u32 s8, $0xFFFFF086  }
0x1c: {  	p1 =	slt.u32 s9, $0xF7A;
	s5 =	simm.s32 @!p2 $0x0  }
0x1d: {  	s5 =	simm.s32 @p1 $0x1;
	p0 =	seq.s32 s7, s2  }
0x1e: {  	s7 =	smul.u32 @!p0 $0xF7A, s2;
	p2 =	seq.s32 @!p0 s5, $0x0  }
0x1f: {  	s9 =	smul.u32 $0xF7A, s1;
	s8 =	simm.s32 @!p0 $0x1BF5;
	p2 =	por !p2, p0  }
0x20: {  	[sflag:s8] =	ssyncset.s32 @!p0 $0xFFFFF086;
	s6 =	sadd.s32 @!p0 s3, s7;
	s7 =	simm.s32 @!p0 $0x108  }
0x21: {  	s3 =	sadd.s32 s3, s9;
	s6 =	sadd.s32 @!p0 $0x88, s6;
	s7 =	simm.s32 @p2 $0x1082  }
0x22: {  	[simem:s7], [sflag:s8] =	dma.local @!p0 [hbm:s6], $0xF7A  }
0x23: {  	s9 =	sor.u32 $0xD0000000, s2;
	s6 =	simm.s32 $0x108;
	_ =	swait.ge @!p0 [sflag:s8], $0x0  }
0x24: {  	s3 =	sadd.s32 $0x88, s3;
	s6 =	simm.s32 @!p1 $0x1082;
	[sflag:s4] =	ssyncset.s32 $0xFFFFF086  }
0x25: {  	[simem:s6], [sflag:s4] =	dma.local [hbm:s3], $0xF7A  }
0x26: {  	[smem:$0x3F9D] =	sst s1;
	(tag) =	ssettag s2;
	_ =	strace s9  }
0x27: {  	s1 =	sld [smem:$0x3FAD]  }
0x28: {  	s2 =	sld [smem:$0x3FAE]  }
0x29: {  	s4 =	sld [smem:$0x3FB0]  }
0x2a: {  	p0 =	seq.s32 s5, $0x0;
	s5 =	sld [smem:$0x3FB1]  }
0x2b: {  	s6 =	sld [smem:$0x3FB2]  }
0x2c: {  	s7 =	sld [smem:$0x3FB3]  }
0x2d: {  	s3 =	simm.s32 $0x108;
	s8 =	sld [smem:$0x3FB4]  }
0x2e: {  	s3 =	simm.s32 @!p0 $0x1082;
	s9 =	sld [smem:$0x3FB5]  }
0x2f: {  	lr =	sadd.s32 s0, s3;
	s0 =	sld [smem:$0x3FAC]  }
0x30: {  	s3 =	sld [smem:$0x3FAF]  }
0x31: {  	[smem:$0x3FB8] =	sst s10  }
0x32: {  	s10 =	sld [smem:$0x3FB6];
	_ =	sdelay $0x3  }
0x33: {  	p0 =	seq.s32 s10, $0x1;
	s10 =	sld [smem:$0x3FB8];
	_ =	sdelay $0x3  }
0x34: {  	[smem:$0x3FB8] =	sst s10  }
0x35: {  	s10 =	sld [smem:$0x3FB7];
	_ =	sdelay $0x3  }
0x36: {  	p1 =	seq.s32 s10, $0x1;
	s10 =	sld [smem:$0x3FB8];
	_ =	sdelay $0x3  }
0x37: {  	[smem:$0x3FB8] =	sst s10  }
0x38: {  	s10 =	sld [smem:$0x3FB9]  }
0x39: {  	_ = 	snop;
	(pc) =	sbr.ind lr, $3  }
0x3a: {  	_ = 	snop  }
0x3b: {  	_ = 	snop  }
0x3c: {  	p2 =	seq.s32 s10, $0x1;
	s10 =	sld [smem:$0x3FB8]  }
0x3d: {  	_ =	shalt  }
0x3e: {  	_ =	shalt  }
0x3f: {  	_ =	shalt  }
0x40: {  	_ =	shalt  }
0x41: {  	_ =	shalt  }
0x42: {  	_ =	shalt  }
0x43: {  	_ =	shalt  }
0x44: {  	_ =	shalt  }
0x45: {  	_ =	shalt  }
0x46: {  	_ =	shalt  }
0x47: {  	_ =	shalt  }
0x48: {  	_ =	shalt  }
0x49: {  	_ =	shalt  }
0x4a: {  	_ =	shalt  }
0x4b: {  	_ =	shalt  }
0x4c: {  	_ =	shalt  }
0x4d: {  	_ =	shalt  }
0x4e: {  	_ =	shalt  }
0x4f: {  	_ =	shalt  }
0x50: {  	_ =	shalt  }
0x51: {  	_ =	shalt  }
0x52: {  	_ =	shalt  }
0x53: {  	_ =	shalt  }
0x54: {  	_ =	shalt  }
0x55: {  	_ =	shalt  }
0x56: {  	_ =	shalt  }
0x57: {  	_ =	shalt  }
0x58: {  	_ =	shalt  }
0x59: {  	_ =	shalt  }
0x5a: {  	_ =	shalt  }
0x5b: {  	_ =	shalt  }
0x5c: {  	_ =	shalt  }
0x5d: {  	_ =	shalt  }
0x5e: {  	_ =	shalt  }
0x5f: {  	_ =	shalt  }
0x60: {  	_ =	shalt  }
0x61: {  	_ =	shalt  }
0x62: {  	_ =	shalt  }
0x63: {  	_ =	shalt  }
0x64: {  	_ =	shalt  }
0x65: {  	_ =	shalt  }
0x66: {  	_ =	shalt  }
0x67: {  	_ =	shalt  }
0x68: {  	_ =	shalt  }
0x69: {  	_ =	shalt  }
0x6a: {  	_ =	shalt  }
0x6b: {  	_ =	shalt  }
0x6c: {  	_ =	shalt  }
0x6d: {  	_ =	shalt  }
0x6e: {  	_ =	shalt  }
0x6f: {  	_ =	shalt  }
0x70: {  	_ =	shalt  }
0x71: {  	_ =	shalt  }
0x72: {  	_ =	shalt  }
0x73: {  	_ =	shalt  }
0x74: {  	_ =	shalt  }
0x75: {  	_ =	shalt  }
0x76: {  	_ =	shalt  }
0x77: {  	_ =	shalt  }
0x78: {  	_ =	shalt  }
0x79: {  	_ =	shalt  }
0x7a: {  	_ =	shalt  }
0x7b: {  	_ =	shalt  }
0x7c: {  	_ =	shalt  }
0x7d: {  	_ =	shalt  }
0x7e: {  	_ =	shalt  }
0x7f: {  	_ =	shalt  }
0x80: {  	_ =	shalt  }
0x81: {  	_ =	shalt  }
0x82: {  	_ =	shalt  }
0x83: {  	_ =	shalt  }
0x84: {  	_ =	shalt  }
0x85: {  	_ =	shalt  }
0x86: {  	_ =	shalt  }
0x87: {  	_ =	shalt  }
.Lfunc_end0:
.L_simem_size_0:
called_computation_lowered:
.L_overlay_start_0:
0x88: {  	s0 =	sld [smem:$0x3FD9]  }
0x89: {  	s1 =	sld [smem:$0x3FFE];
	_ =	sdelay $0x3  }
0x8a: {  	s0 =	sadd.s32 s1, s0  }
0x8b: {  	[smem:$0x3FC4] =	sst s0  }
0x8c: {  	_ = 	snop  }
0x8d: {  	s0 =	sld [smem:$0x3FC6]  }
0x8e: {  	s16 =	sld [smem:$0x3FD0];
	(tm) =	ssettm $0x1  }
0x8f: {  	s2 =	sld [smem:$0x3FFB];
	_ =	sdelay $0x3  }
0x90: {  	_ =	strace s2  }
0x91: {  	s2 =	sld [smem:$0x3FFC];
	_ =	sdelay $0x3  }
0x92: {  	_ =	strace s2  }
0x93: {  	s2 =	sld [smem:$0x3FFD];
	_ =	sdelay $0x3  }
0x94: {  	_ =	strace s2  }
0x95: {  	_ =	strace $0x8FFFFFFF  }
0x96: {  	s17 =	sld [smem:$0x3FDB];
	_ =	sdelay $0x1  }
0x97: {  	s3 =	simm.s32 $_scs_section_size  }
0x98: {  	s4 =	simm.s32 $_size__tile_overlayer_lowered;
	s5 =	simm.s32 $_tile_overlayer_lowered  }
0x99: {  	s20 =	simm.s32 $0x1BFF;
	s19 =	sshll.u32 s5, $0x1;
	s2 =	sadd.s32 s3, s17  }
0x9a: {  	s6 =	simm.s32 $0x0;
	s18 =	sshll.u32 s4, $0x1;
	s4 =	sadd.s32 s19, s2  }
0x9b: {  	[timem:s6], [sflag:s20] =	dma.local [hbm:s4], s18  }
0x9c: {  	_ =	swait.ge [sflag:s20], s18  }
0x9d: {  	s3 =	ssub.s32 $0x0, s18;
	[sflag:s20] =	ssyncset.done $0x0  }
0x9e: {  	[sflag:s20] =	ssyncadd.s32 s3;
	_ =	sdelay $0x1  }
0x9f: {  	s21 =	simm.s32 $0x1B8B  }
0xa0: {  	_ =	swait.ge [sflag:s21], $0x1  }
0xa1: {  	[sflag:s21] =	ssyncset.done $0x0  }
0xa2: {  	s23 =	simm.s32 $0x1B8E;
	s22 =	sld [smem:$0x3FFE];
	[sflag:s21] =	ssyncadd.s32 $0xFFFFFFFF  }
0xa3: {  	s24 =	simm.s32 $execute0_lowered;
	[smem:$0x3FD2] =	sst s23  }
0xa4: {  	s4 =	sshll.u32 s24, $0x1;
	_ =	strace $0x80000046;
	[dreg:$0x1] =	wrdreg $0xFFFFFFFF  }
0xa5: {  	s25 =	simm.s32 $_size_execute0_lowered;
	s2 =	sadd.s32 s2, s4;
	[dreg:$0x0] =	wrdreg $0x0  }
0xa6: {  	s4 =	sshll.u32 s25, $0x1;
	[dreg:$0x2] =	wrdreg s2  }
0xa7: {  	[dreg:$0x3] =	wrdreg s4  }
0xa8: {  	[dreg:$0x4] =	wrdreg $0xC0  }
0xa9: {  	_ =	task [dreg:s6], $0x5FFFF  }
0xaa: {  	[dreg:$0x1] =	wrdreg $0xFFFFFFFF  }
0xab: {  	[dreg:$0x0] =	wrdreg $0x60  }
0xac: {  	[dreg:$0x2] =	wrdreg s22  }
0xad: {  	[dreg:$0x3] =	wrdreg s0  }
0xae: {  	[dreg:$0x4] =	wrdreg s16  }
0xaf: {  	[dreg:$0x5] =	wrdreg $0x9700  }
0xb0: {  	[dreg:$0x6] =	wrdreg $0x9  }
0xb1: {  	_ =	task.clear_ibuf [dreg:s6], $0x7FFFF;
	_ =	strace $0x90000046  }
0xb2: {  	s26 =	simm.s32 $0x9;
	_ =	strace $0x80000048  }
0xb3: {  	_ =	swait.ge [sflag:s26], $0x1  }
0xb4: {  	[sflag:s26] =	ssyncadd.s32 $0xFFFFFFFF  }
0xb5: {  	_ =	strace $0x90000048  }
0xb6: {  	_ =	sfence  }
0xb7: {  	s28 =	sld [smem:$0x0];
	_ =	sdelay $0x1  }
0xb8: {  	s29 =	srdreg.scid  }
0xb9: {  	s30 =	sshll.u32 s29, $0xD;
	s31 =	sshrl.u32 s29, $0x2  }
0xba: {  	s1 =	sand.u32 $0x1, s29;
	s2 =	sand.u32 $0x4000, s30;
	s0 =	sadd.s32 s31, s28  }
0xbb: {  	s1 =	sor.u32 s2, s1;
	s0 =	sshll.u32 s0, $0x11  }
0xbc: {  	s0 =	sor.u32 s0, s1  }
0xbd: {  	s0 =	sadd.s32 $0x8F2B, s0  }
0xbe: {  	[sflag:s0] =	ssyncadd.remote.s32 $0x1  }
0xbf: {  	_ =	sfence.sel $0xFFFF  }
0xc0: {  	[dreg:$0x0] =	wrdreg $0xFFFFFFFF;
	(pc) =	sbr.abs _section_cstart, $3  }
0xc1: {  	[dreg:$0x1] =	wrdreg $0xFFFFFFFF  }
0xc2: {  	_ =	task.clear_ibuf [dreg:s6], $0x2FFFF;
	_ =	strace $0x9FFFFFFF  }
0xc3: {  	(tm) =	ssettm $0x7FFFFFFF  }
tec
execute0_lowered:
.L_overlay_start_1:
0x0: {  	(tag) =	ssettag $0x1  }
0x1: {  	s5 =	rddreg [dreg:$0x0]  }
0x2: {  	s6 =	rddreg [dreg:$0x1]  }
0x3: {  	s1 =	rddreg [dreg:$0x2];
	s3 =	stileid.u32  }
0x4: {  	s2 =	rddreg [dreg:$0x3];
	s7 =	simm.s32 $0x0;
	s4 =	sshll.u32 s3, $0x2  }
0x5: {  	[smem:$0x7FF] =	sst s7;
	s4 =	sadd.s32 s4, s5  }
0x6: {  	s0 =	rddreg [dreg:$0x4];
	_ =	strace $0x80000047;
	s4 =	sadd.s32 $0x800, s4  }
0x7: {  	[tilespmem:s7], [sflag:$0x2] =	stream.linear.gather [hbm4b:s4+s7], $0x20, $0x38;
	[tilespmem:$0x980] =	vst v63  }
0x8: {  	s4 =	simm.s32 $0x2  }
0x9: {  	_ =	swait.ge [sflag:s4], $0x20  }
0xa: {  	[sflag:s4] =	ssyncset.done $0x0  }
0xb: {  	s8 =	simm.s32 $0x820;
	[sflag:s4] =	ssyncadd.s32 $0xFFFFFFE0  }
0xc: {  	[tilespmem:s8], [sflag:$0x2] =	stream.linear.gather [hbm4b:s6+s7], $0x40, $0x38;
	[tilespmem:$0x980] =	vst v63  }
0xd: {  	_ =	swait.ge [sflag:s4], $0x40  }
0xe: {  	s25 =	simm.s32 $0x20;
	[sflag:s4] =	ssyncset.done $0x0  }
0xf: {  	s26 =	simm.s32 $0x1;
	s5 =	sadd.s32 $0xF42C00, s5;
	[sflag:s4] =	ssyncadd.s32 $0xFFFFFFC0  }
0x10: {  	[tilespmem:s25], [sflag:$0x1] =	stream.indirect.gather [hbm4b:s5+s25], $0x40, s7, s25, $0xb8;
	[tilespmem:$0x980] =	vst v63  }
0x11: {  	_ =	swait.ge [sflag:s26], $0x800  }
0x12: {  	[sflag:s26] =	ssyncset.done $0x0  }
0x13: {  	[sflag:s26] =	ssyncadd.s32 $0xFFFFF800  }
0x14: {  	v4 =	vld [tilespmem:$0x20]  }
0x15: {  	v5 =	vld [tilespmem:$0x420]  }
0x16: {  	v2 =	vld [tilespmem:$0x820]  }
0x17: {  	v6 =	vld [tilespmem:$0x30]  }
0x18: {  	v7 =	vld [tilespmem:$0x430]  }
0x19: {  	v3 =	vld [tilespmem:$0x830]  }
0x1a: {  	v8 =	vld [tilespmem:$0x40]  }
0x1b: {  	v9 =	vld [tilespmem:$0x440]  }
0x1c: {  	v1 =	vld [tilespmem:$0x840]  }
0x1d: {  	v10 =	vld [tilespmem:$0x50]  }
0x1e: {  	v11 =	vld [tilespmem:$0x450]  }
0x1f: {  	v0 =	vld [tilespmem:$0x850]  }
0x20: {  	v12 =	vld [tilespmem:$0x60]  }
0x21: {  	v13 =	vld [tilespmem:$0x460]  }
0x22: {  	v14 =	vld [tilespmem:$0x70]  }
0x23: {  	v15 =	vld [tilespmem:$0x470]  }
0x24: {  	v16 =	vld [tilespmem:$0x80]  }
0x25: {  	v17 =	vld [tilespmem:$0x480]  }
0x26: {  	v18 =	vld [tilespmem:$0x90]  }
0x27: {  	v19 =	vld [tilespmem:$0x490]  }
0x28: {  	v20 =	vld [tilespmem:$0xA0]  }
0x29: {  	v21 =	vld [tilespmem:$0x4A0]  }
0x2a: {  	v22 =	vld [tilespmem:$0xB0]  }
0x2b: {  	v23 =	vld [tilespmem:$0x4B0]  }
0x2c: {  	v24 =	vld [tilespmem:$0xC0]  }
0x2d: {  	v25 =	vld [tilespmem:$0x4C0]  }
0x2e: {  	v26 =	vld [tilespmem:$0xD0]  }
0x2f: {  	v27 =	vld [tilespmem:$0x4D0]  }
0x30: {  	v28 =	vld [tilespmem:$0xE0]  }
0x31: {  	v29 =	vld [tilespmem:$0x4E0]  }
0x32: {  	v30 =	vld [tilespmem:$0xF0]  }
0x33: {  	v31 =	vld [tilespmem:$0x4F0]  }
0x34: {  	v32 =	vld [tilespmem:$0x100]  }
0x35: {  	v33 =	vld [tilespmem:$0x500]  }
0x36: {  	v34 =	vld [tilespmem:$0x110]  }
0x37: {  	v35 =	vld [tilespmem:$0x510]  }
0x38: {  	v36 =	vld [tilespmem:$0x120]  }
0x39: {  	v37 =	vld [tilespmem:$0x520]  }
0x3a: {  	v38 =	vld [tilespmem:$0x130]  }
0x3b: {  	v39 =	vld [tilespmem:$0x530]  }
0x3c: {  	v40 =	vld [tilespmem:$0x140]  }
0x3d: {  	v41 =	vld [tilespmem:$0x540]  }
0x3e: {  	v42 =	vld [tilespmem:$0x150]  }
0x3f: {  	v43 =	vld [tilespmem:$0x550]  }
0x40: {  	v44 =	vld [tilespmem:$0x160]  }
0x41: {  	v45 =	vld [tilespmem:$0x560]  }
0x42: {  	v46 =	vld [tilespmem:$0x170]  }
0x43: {  	v47 =	vld [tilespmem:$0x570]  }
0x44: {  	v48 =	vld [tilespmem:$0x180]  }
0x45: {  	v49 =	vld [tilespmem:$0x580]  }
0x46: {  	v50 =	vld [tilespmem:$0x190]  }
0x47: {  	v51 =	vld [tilespmem:$0x590]  }
0x48: {  	v52 =	vld [tilespmem:$0x1A0]  }
0x49: {  	v53 =	vld [tilespmem:$0x5A0]  }
0x4a: {  	v54 =	vld [tilespmem:$0x1B0]  }
0x4b: {  	v55 =	vld [tilespmem:$0x5B0]  }
0x4c: {  	v56 =	vld [tilespmem:$0x1C0]  }
0x4d: {  	v57 =	vld [tilespmem:$0x5C0]  }
0x4e: {  	v60 =	vsub.f32 v6, v7;
	v6 =	vld [tilespmem:$0x1D0]  }
0x4f: {  	v61 =	vsub.f32 v12, v13;
	v13 =	vld [tilespmem:$0x5D0]  }
0x50: {  	v8 =	vsub.f32 v8, v9;
	v9 =	vld [tilespmem:$0x1E0]  }
0x51: {  	v62 =	vsub.f32 v14, v15;
	v15 =	vld [tilespmem:$0x5E0]  }
0x52: {  	v14 =	vld [tilespmem:$0x5F0]  }
0x53: {  	v10 =	vsub.f32 v10, v11;
	v11 =	vld [tilespmem:$0x600]  }
0x54: {  	v63 =	vsub.f32 v16, v17;
	v17 =	vld [tilespmem:$0x210]  }
0x55: {  	v48 =	vsub.f32 v48, v49;
	v49 =	vsub.f32 v52, v53;
	v53 =	vld [tilespmem:$0x680]  }
0x56: {  	v58 =	vmul.f32 v1, v8;
	v8 =	vld [tilespmem:$0x1F0]  }
0x57: {  	v7 =	vmul.f32 v61, v2;
	v61 =	vsub.f32 v20, v21;
	v20 =	vld [tilespmem:$0x610]  }
0x58: {  	v4 =	vsub.f32 v4, v5;
	v12 =	vmul.f32 v62, v3;
	v62 =	vsub.f32 v22, v23;
	v22 =	vld [tilespmem:$0x220]  }
0x59: {  	v59 =	vmul.f32 v63, v1;
	v63 =	vsub.f32 v24, v25;
	v24 =	vld [tilespmem:$0x620]  }
0x5a: {  	v28 =	vsub.f32 v28, v29;
	v4 =	vmul.f32 v2, v4;
	v5 =	vmul.f32 v3, v60;
	v21 =	vld [tilespmem:$0x630]  }
0x5b: {  	v29 =	vsub.f32 v30, v31;
	v60 =	vsub.f32 v18, v19;
	v23 =	vld [tilespmem:$0x260]  }
0x5c: {  	v31 =	vmul.f32 v28, v2;
	v28 =	vld [tilespmem:$0x670];
	v4 =	vadd.f32 v5, v4;
	v7 =	vadd.f32 v12, v7  }
0x5d: {  	v5 =	vld [tilespmem:$0x200];
	v12 =	vmul.f32 v60, v0;
	v16 =	vmul.f32 v61, v2;
	v60 =	vsub.f32 v32, v33  }
0x5e: {  	v18 =	vmul.f32 v62, v3;
	v33 =	vsub.f32 v34, v35;
	v6 =	vsub.f32 v6, v13;
	v13 =	vld [tilespmem:$0x6B0]  }
0x5f: {  	v7 =	vadd.f32 v59, v7;
	v59 =	vsub.f32 v26, v27;
	v26 =	vld [tilespmem:$0x240]  }
0x60: {  	v34 =	vsub.f32 v36, v37;
	v16 =	vadd.f32 v18, v16;
	v18 =	vld [tilespmem:$0x640]  }
0x61: {  	v35 =	vsub.f32 v38, v39;
	v27 =	vld [tilespmem:$0x250]  }
0x62: {  	v37 =	vmul.f32 v34, v2;
	v34 =	vld [tilespmem:$0x270]  }
0x63: {  	v39 =	vsub.f32 v40, v41;
	v40 =	vsub.f32 v44, v45;
	v38 =	vmul.f32 v35, v3;
	v35 =	vld [tilespmem:$0x280]  }
0x64: {  	v30 =	vmul.f32 v63, v1;
	v41 =	vsub.f32 v46, v47;
	v63 =	vmul.f32 v60, v1;
	v60 =	vld [tilespmem:$0x690]  }
0x65: {  	v46 =	vmul.f32 v40, v2;
	v40 =	vld [tilespmem:$0x2A0]  }
0x66: {  	v47 =	vmul.f32 v41, v3;
	v41 =	vld [tilespmem:$0x6A0]  }
0x67: {  	v10 =	vmul.f32 v0, v10;
	v4 =	vadd.f32 v58, v4;
	v8 =	vsub.f32 v8, v14;
	v14 =	vld [tilespmem:$0x2B0]  }
0x68: {  	v58 =	vmul.f32 v29, v3;
	v7 =	vadd.f32 v12, v7;
	v12 =	vld [tilespmem:$0x230]  }
0x69: {  	v4 =	vadd.f32 v10, v4;
	v10 =	vadd.f32 v30, v16;
	v30 =	vld [tilespmem:$0x650]  }
0x6a: {  	v61 =	vadd.f32 v58, v31;
	v31 =	vld [tilespmem:$0x660]  }
0x6b: {  	v58 =	vld [tilespmem:$0x290]  }
0x6c: {  	v62 =	vmul.f32 v59, v0;
	v59 =	vsub.f32 v42, v43;
	v43 =	vsub.f32 v17, v20;
	v17 =	vld [tilespmem:$0x2E0]  }
0x6d: {  	v9 =	vsub.f32 v9, v15;
	v20 =	vld [tilespmem:$0x6E0]  }
0x6e: {  	v45 =	vmul.f32 v39, v1;
	v44 =	vadd.f32 v38, v37;
	v38 =	vld [tilespmem:$0x750]  }
0x6f: {  	v9 =	vmul.f32 v9, v2;
	v5 =	vsub.f32 v5, v11;
	v11 =	vld [tilespmem:$0x2C0]  }
0x70: {  	v8 =	vmul.f32 v8, v3;
	v19 =	vadd.f32 v45, v44;
	v44 =	vsub.f32 v22, v24;
	v22 =	vld [tilespmem:$0x2F0]  }
0x71: {  	v16 =	vadd.f32 v63, v61;
	v63 =	vmul.f32 v59, v0;
	v59 =	vld [tilespmem:$0x730]  }
0x72: {  	v61 =	vsub.f32 v50, v51;
	v8 =	vadd.f32 v8, v9;
	v9 =	vld [tilespmem:$0x2D0]  }
0x73: {  	v52 =	vsub.f32 v54, v55;
	v55 =	vmul.f32 v48, v1;
	v48 =	vsub.f32 v26, v18;
	v18 =	vld [tilespmem:$0x6F0]  }
0x74: {  	v29 =	vmul.f32 v61, v0;
	v61 =	vld [tilespmem:$0x340]  }
0x75: {  	v15 =	vadd.f32 v63, v19;
	v63 =	vld [tilespmem:$0x740]  }
0x76: {  	(xrf2) =	vadd.scan.msk.f32 $0xffff, v4;
	v4 =	vmul.f32 v44, v2;
	v44 =	vld [tilespmem:$0x760]  }
0x77: {  	v54 =	vadd.f32 v47, v46;
	v45 =	vsub.f32 v23, v31;
	v23 =	vld [tilespmem:$0x300]  }
0x78: {  	v36 =	vmul.f32 v33, v0;
	v37 =	vmul.f32 v52, v3;
	v12 =	vsub.f32 v12, v21;
	v21 =	vld [tilespmem:$0x310]  }
0x79: {  	v10 =	vadd.f32 v62, v10;
	v25 =	vadd.f32 v55, v54;
	v51 =	vmul.f32 v48, v1;
	v48 =	vld [tilespmem:$0x770]  }
0x7a: {  	v5 =	vmul.f32 v5, v1;
	(xrf2) =	vadd.scan.msk.f32 $0xffff, v7;
	v16 =	vadd.f32 v36, v16;
	v52 =	vsub.f32 v27, v30;
	v30 =	vld [tilespmem:$0x7D0]  }
0x7b: {  	(xrf2) =	vadd.scan.msk.f32 $0xffff, v10;
	v42 =	vadd.f32 v29, v25;
	v25 =	vld [tilespmem:$0x6D0]  }
0x7c: {  	v5 =	vadd.f32 v5, v8;
	v8 =	vmul.f32 v43, v0;
	(xrf2) =	vadd.scan.msk.f32 $0xffff, v16;
	v16 =	vld [tilespmem:$0x350]  }
0x7d: {  	v62 =	vsub.f32 v56, v57;
	v46 =	vsub.f32 v34, v28;
	(xrf2) =	vadd.scan.msk.f32 $0xffff, v15;
	v15 =	vld [tilespmem:$0x700]  }
0x7e: {  	v50 =	vsub.f32 v35, v53;
	v36 =	vmul.f32 v49, v2;
	v5 =	vadd.f32 v8, v5;
	v8 =	vld [tilespmem:$0x710]  }
0x7f: {  	v13 =	vsub.f32 v14, v13;
	v54 =	vsub.f32 v58, v60;
	v47 =	vmul.f32 v12, v3;
	v12 =	vld [tilespmem:$0x320]  }
0x80: {  	v36 =	vadd.f32 v37, v36;
	v37 =	vmul.f32 v62, v1;
	v7 =	vmul.f32 v45, v2;
	v45 =	vld [tilespmem:$0x370]  }
0x81: {  	v49 =	vmul.f32 v46, v3;
	v17 =	vsub.f32 v17, v20;
	v56 =	vmul.f32 v54, v0;
	v54 =	vld [tilespmem:$0x790]  }
0x82: {  	v6 =	vmul.f32 v6, v0;
	v33 =	vadd.f32 v37, v36;
	v36 =	vld [tilespmem:$0x6C0];
	v18 =	vsub.f32 v22, v18  }
0x83: {  	v53 =	vmul.f32 v50, v1;
	(xrf2) =	vadd.scan.msk.f32 $0xffff, v42;
	v42 =	vld [tilespmem:$0x360];
	v4 =	vadd.f32 v47, v4;
	v7 =	vadd.f32 v49, v7  }
0x84: {  	v47 =	vsub.f32 v40, v41;
	v49 =	vld [tilespmem:$0x380];
	v6 =	vadd.f32 v6, v33  }
0x85: {  	v4 =	vadd.f32 v51, v4;
	v7 =	vadd.f32 v53, v7;
	v51 =	vld [tilespmem:$0x780]  }
0x86: {  	v55 =	vmul.f32 v52, v0;
	v53 =	vld [tilespmem:$0x390];
	v9 =	vsub.f32 v9, v25;
	v15 =	vsub.f32 v23, v15  }
0x87: {  	v13 =	vmul.f32 v13, v3;
	(xrf2) =	vadd.scan.msk.f32 $0xffff, v6;
	v6 =	vsub.f32 v61, v63;
	v61 =	vld [tilespmem:$0x7C0];
	v8 =	vsub.f32 v21, v8  }
0x88: {  	v29 =	vmul.f32 v47, v2;
	v58, _, _ =	vpop (xrf2);
	v63 =	vld [tilespmem:$0x3D0];
	v14 =	vsub.f32 v45, v48;
	v4 =	vadd.f32 v55, v4  }
0x89: {  	(xrf2) =	vadd.scan.msk.f32 $0xffff, v5;
	v5 =	vld [tilespmem:$0x720];
	v57 =	vadd.f32 v56, v7;
	(v2sf) =	vpush v58, $0xF  }
0x8a: {  	v7 =	vld [tilespmem:$0x330];
	v60, _, _ =	vpop (xrf2);
	v11 =	vsub.f32 v11, v36;
	v13 =	vadd.f32 v13, v29  }
0x8b: {  	v17 =	vmul.f32 v17, v2;
	v55 =	vld [tilespmem:$0x3A0];
	v33 =	vsub.f32 v42, v44;
	v62, _, _ =	vpop (xrf2);
	(v2sf) =	vpush v60, $0xF  }
0x8c: {  	v56 =	vld [tilespmem:$0x7A0];
	v36 =	vsub.f32 v16, v38;
	(v2sf) =	vpush v62, $0xF;
	v11 =	vmul.f32 v11, v1  }
0x8d: {  	v18 =	vmul.f32 v18, v3;
	v58 =	vld [tilespmem:$0x7B0];
	v35, _, _ =	vpop (xrf2);
	v38 =	vsub.f32 v49, v51;
	v47 =	vsub.f32 v53, v54  }
0x8e: {  	v9 =	vmul.f32 v9, v0;
	v60 =	vld [tilespmem:$0x3C0];
	(xrf2) =	vadd.scan.msk.f32 $0xffff, v4;
	v37, _, _ =	vpop (xrf2);
	(v2sf) =	vpush v35, $0xF;
	v11 =	vadd.f32 v11, v13  }
0x8f: {  	v25 =	vmul.f32 v6, v1;
	(xrf2) =	vadd.scan.msk.f32 $0xffff, v57;
	v57 =	vld [tilespmem:$0x3B0];
	v6 =	vsub.f32 v63, v30;
	(v2sf) =	vpush v37, $0xF  }
0x90: {  	v34 =	vld [tilespmem:$0x3E0];
	v15 =	vmul.f32 v15, v1;
	v5 =	vsub.f32 v12, v5;
	v4 =	vsub.f32 v7, v59  }
0x91: {  	v41 =	vld [tilespmem:$0x7F0];
	v14 =	vmul.f32 v14, v3;
	v39, _, _ =	vpop (xrf2);
	v59 =	vadd.f32 v18, v17;
	v40 =	vsub.f32 v55, v56  }
0x92: {  	v35 =	vmul.f32 v8, v0;
	v37 =	vld [tilespmem:$0x7E0];
	(v2sf) =	vpush v39, $0xF;
	v9 =	vadd.f32 v9, v11  }
0x93: {  	v39 =	vld [tilespmem:$0x3F0];
	v5 =	vmul.f32 v5, v2;
	v4 =	vmul.f32 v4, v3;
	v62 =	vadd.f32 v15, v59  }
0x94: {  	v49 =	vsub.f32 v60, v61;
	v15 =	vmul.f32 v33, v2;
	v7 =	vsub.f32 v57, v58  }
0x95: {  	v43, _, _ =	vpop (xrf2);
	v4 =	vadd.f32 v4, v5;
	v5 =	vadd.f32 v35, v62  }
0x96: {  	v44 =	vld [tilespmem:$0x400];
	v8 =	vmul.f32 v36, v0;
	v42 =	vadd.f32 v14, v15;
	(v2sf) =	vpush v43, $0xF;
	v46, _, _ =	vpop (xrf2)  }
0x97: {  	v45 =	vmul.f32 v40, v2;
	(v2sf) =	vpush v46, $0xF;
	v4 =	vadd.f32 v25, v4;
	v46 =	vld [tilespmem:$0x800]  }
0x98: {  	v48 =	vld [tilespmem:$0x410];
	v43 =	vmul.f32 v38, v1;
	v51 =	vsub.f32 v34, v37;
	v13 =	vsub.f32 v39, v41;
	v50, _, _ =	vpop (xrf2);
	(xrf2) =	vadd.scan.msk.f32 $0xffff, v9  }
0x99: {  	v7 =	vmul.f32 v7, v3;
	(v2sf) =	vpush v50, $0xF;
	v52, _, _ =	vpop (xrf2);
	v4 =	vadd.f32 v8, v4;
	v50 =	vld [tilespmem:$0x810];
	(xrf2) =	vadd.scan.msk.f32 $0xffff, v5  }
0x9a: {  	v11 =	vadd.f32 v43, v42;
	(v2sf) =	vpush v52, $0xF;
	v52 =	vmul.f32 v47, v0;
	s28 =	spop (v2sf)  }
0x9b: {  	v7 =	vadd.f32 v7, v45;
	v2 =	vmul.f32 v51, v2;
	v8 =	vmul.f32 v49, v1;
	(xrf2) =	vadd.scan.msk.f32 $0xffff, v4;
	s29 =	spop (v2sf);
	s5 =	ssub.f32 $1.000000000e+00, s28  }
0x9c: {  	v3 =	vmul.f32 v13, v3;
	v53 =	vsub.f32 v44, v46;
	v54 =	vadd.f32 v52, v11;
	s6 =	ssub.f32 $1.000000000e+00, s29  }
0x9d: {  	v6 =	vmul.f32 v6, v0;
	v7 =	vadd.f32 v8, v7;
	s30 =	spop (v2sf);
	s5 =	smax.f32 s5, $0.0e+00  }
0x9e: {  	v2 =	vadd.f32 v3, v2;
	v1 =	vmul.f32 v53, v1;
	v55 =	vsub.f32 v48, v50;
	(xrf2) =	vadd.scan.msk.f32 $0xffff, v54;
	s7 =	ssub.f32 $1.000000000e+00, s30;
	s6 =	smax.f32 s6, $0.0e+00  }
0x9f: {  	s31 =	spop (v2sf);
	s5 =	sadd.f32 s6, s5  }
0xa0: {  	v57 =	vadd.f32 v6, v7;
	v1 =	vadd.f32 v1, v2;
	v0 =	vmul.f32 v55, v0;
	s7 =	smax.f32 s7, $0.0e+00;
	s9 =	ssub.f32 $1.000000000e+00, s31  }
0xa1: {  	s10 =	spop (v2sf);
	s5 =	sadd.f32 s7, s5  }
0xa2: {  	s6 =	ssub.f32 $1.000000000e+00, s10;
	v56, _, _ =	vpop (xrf2);
	(xrf2) =	vadd.scan.msk.f32 $0xffff, v57;
	v0 =	vadd.f32 v0, v1;
	s7 =	smax.f32 s9, $0.0e+00  }
0xa3: {  	(v2sf) =	vpush v56, $0xF;
	v58, _, _ =	vpop (xrf2);
	s5 =	sadd.f32 s7, s5  }
0xa4: {  	s6 =	smax.f32 s6, $0.0e+00;
	(xrf2) =	vadd.scan.msk.f32 $0xffff, v0;
	(v2sf) =	vpush v58, $0xF  }
0xa5: {  	s11 =	spop (v2sf);
	v59, _, _ =	vpop (xrf2);
	s5 =	sadd.f32 s6, s5  }
0xa6: {  	(v2sf) =	vpush v59, $0xF;
	s6 =	ssub.f32 $1.000000000e+00, s11  }
0xa7: {  	s12 =	spop (v2sf)  }
0xa8: {  	s7 =	ssub.f32 $1.000000000e+00, s12;
	v60, _, _ =	vpop (xrf2);
	s6 =	smax.f32 s6, $0.0e+00  }
0xa9: {  	s13 =	spop (v2sf);
	(v2sf) =	vpush v60, $0xF;
	s5 =	sadd.f32 s6, s5  }
0xaa: {  	s15 =	ssub.f32 $1.000000000e+00, s13;
	s14 =	smax.f32 s7, $0.0e+00  }
0xab: {  	s16 =	spop (v2sf);
	s5 =	sadd.f32 s14, s5  }
0xac: {  	s7 =	smax.f32 s15, $0.0e+00;
	s8 =	ssub.f32 $1.000000000e+00, s16;
	v61, _, _ =	vpop (xrf2)  }
0xad: {  	p1 =	slt.u32 s3, $0xD;
	s17 =	spop (v2sf);
	(v2sf) =	vpush v61, $0xF;
	s5 =	sadd.f32 s7, s5  }
0xae: {  	p0 =	slt.u32 s3, $0xC;
	s6 =	ssub.f32 $1.000000000e+00, s17;
	s8 =	smax.f32 s8, $0.0e+00;
	v62, _, _ =	vpop (xrf2)  }
0xaf: {  	s8 =	simm.s32 @!p0 $0x0;
	(v2sf) =	vpush v62, $0xF;
	s5 =	simm.s32 @!p1 $0x0  }
0xb0: {  	s6 =	smax.f32 s6, $0.0e+00;
	s5 =	sadd.f32 s8, s5  }
0xb1: {  	s6 =	simm.s32 @!p0 $0x0  }
0xb2: {  	s18 =	spop (v2sf);
	s5 =	sadd.f32 s6, s5  }
0xb3: {  	s7 =	ssub.f32 $1.000000000e+00, s18;
	s19 =	spop (v2sf)  }
0xb4: {  	s20 =	ssub.f32 $1.000000000e+00, s19  }
0xb5: {  	s6 =	smax.f32 s7, $0.0e+00;
	s21 =	spop (v2sf)  }
0xb6: {  	s6 =	simm.s32 @!p0 $0x0;
	s22 =	ssub.f32 $1.000000000e+00, s21  }
0xb7: {  	s5 =	sadd.f32 s6, s5;
	s6 =	smax.f32 s20, $0.0e+00  }
0xb8: {  	s6 =	simm.s32 @!p0 $0x0;
	s23 =	spop (v2sf)  }
0xb9: {  	s5 =	sadd.f32 s6, s5;
	s6 =	smax.f32 s22, $0.0e+00  }
0xba: {  	s24 =	ssub.f32 $1.000000000e+00, s23;
	s6 =	simm.s32 @!p0 $0x0  }
0xbb: {  	s5 =	sadd.f32 s6, s5  }
0xbc: {  	s6 =	smax.f32 s24, $0.0e+00;
	s25 =	spop (v2sf)  }
0xbd: {  	s6 =	simm.s32 @!p0 $0x0;
	s26 =	ssub.f32 $1.000000000e+00, s25  }
0xbe: {  	s5 =	sadd.f32 s6, s5;
	s28 =	spop (v2sf)  }
0xbf: {  	s7 =	smax.f32 s26, $0.0e+00;
	s6 =	ssub.f32 $1.000000000e+00, s28  }
0xc0: {  	s7 =	simm.s32 @!p0 $0x0  }
0xc1: {  	s5 =	sadd.f32 s7, s5;
	s6 =	smax.f32 s6, $0.0e+00  }
0xc2: {  	s6 =	simm.s32 @!p0 $0x0  }
0xc3: {  	s5 =	sadd.f32 s6, s5;
	_ =	sdelay $0x1  }
0xc4: {  	s29 =	sshll.u32 s3, $0x4;
	v63 =	vmov s5  }
0xc5: {  	s30 =	sadd.s32 s29, s2;
	s31 =	simm.s32 $0x860;
	[tilespmem:$0x860] =	vst v63  }
0xc6: {  	[spmem:s30] =	stream.linear.scatter [tilespmem:s31], [sflag:$0x2], $0x10, $0x38;
	[tilespmem:$0x980] =	vst v63  }
0xc7: {  	_ =	swait.ge [sflag:s4], $0x10  }
0xc8: {  	[sflag:s4] =	ssyncset.done $0x0  }
0xc9: {  	[sflag:s4] =	ssyncadd.s32 $0xFFFFFFF0  }
0xca: {  	p0 =	sne.s32 s3, $0x0;
	[bflag:$0x0] =	sbarrier.arrive $0xFFFF  }
0xcb: {  	_ =	sfence.sel @p0 $0x180000  }
0xcc: {  	[bflag:$0x0] =	sbarrier.arrive @p0 $0xFFFF  }
0xcd: {  	_ =	strace @p0 $0x90000047  }
0xce: {  	s3 =	simm.s32 @!p0 $0x870;
	[bflag:$0x2] =	sbarrier.arrive @p0 $0xFFFF  }
0xcf: {  	[tilespmem:s3], [sflag:$0x2] =	stream.linear.gather @!p0 [spmem:s2], $0x100, $0x38;
	[tilespmem:$0x980] =	vst v63  }
0xd0: {  	s2 =	simm.s32 @!p0 $0x2  }
0xd1: {  	_ =	swait.ge @!p0 [sflag:s2], $0x100  }
0xd2: {  	[sflag:s2] =	ssyncset.done @!p0 $0x0  }
0xd3: {  	[sflag:s2] =	ssyncadd.s32 @!p0 $0xFFFFFF00  }
0xd4: {  	v0 =	vld @!p0 [tilespmem:$0x870]  }
0xd5: {  	v1 =	vld @!p0 [tilespmem:$0x880];
	_ =	sdelay $0x1  }
0xd6: {  	v2 =	vld @!p0 [tilespmem:$0x890];
	_ =	sdelay $0x1  }
0xd7: {  	v3 =	vld @!p0 [tilespmem:$0x8A0]  }
0xd8: {  	v0 =	vadd.f32 @!p0 v1, v0  }
0xd9: {  	v1 =	vld @!p0 [tilespmem:$0x8B0]  }
0xda: {  	v0 =	vadd.f32 @!p0 v2, v0  }
0xdb: {  	v2 =	vld @!p0 [tilespmem:$0x8C0]  }
0xdc: {  	v0 =	vadd.f32 @!p0 v3, v0  }
0xdd: {  	v3 =	vld @!p0 [tilespmem:$0x8D0]  }
0xde: {  	v0 =	vadd.f32 @!p0 v1, v0  }
0xdf: {  	v1 =	vld @!p0 [tilespmem:$0x8E0]  }
0xe0: {  	v0 =	vadd.f32 @!p0 v2, v0  }
0xe1: {  	v2 =	vld @!p0 [tilespmem:$0x8F0]  }
0xe2: {  	v0 =	vadd.f32 @!p0 v3, v0  }
0xe3: {  	v3 =	vld @!p0 [tilespmem:$0x900]  }
0xe4: {  	v0 =	vadd.f32 @!p0 v1, v0  }
0xe5: {  	v1 =	vld @!p0 [tilespmem:$0x910]  }
0xe6: {  	v0 =	vadd.f32 @!p0 v2, v0  }
0xe7: {  	v2 =	vld @!p0 [tilespmem:$0x920]  }
0xe8: {  	v0 =	vadd.f32 @!p0 v3, v0  }
0xe9: {  	v3 =	vld @!p0 [tilespmem:$0x930]  }
0xea: {  	v0 =	vadd.f32 @!p0 v1, v0  }
0xeb: {  	v1 =	vld @!p0 [tilespmem:$0x940]  }
0xec: {  	v0 =	vadd.f32 @!p0 v2, v0  }
0xed: {  	v2 =	vld @!p0 [tilespmem:$0x950]  }
0xee: {  	v0 =	vadd.f32 @!p0 v3, v0  }
0xef: {  	v3 =	vld @!p0 [tilespmem:$0x960]  }
0xf0: {  	v0 =	vadd.f32 @!p0 v1, v0;
	_ =	sdelay $0x1  }
0xf1: {  	v0 =	vadd.f32 @!p0 v2, v0;
	_ =	sdelay $0x1  }
0xf2: {  	v0 =	vadd.f32 @!p0 v3, v0;
	_ =	sdelay $0x1  }
0xf3: {  	(xrf2) =	vadd.scan.msk.f32 @!p0 $0xffff, v0;
	_ =	sdelay $0x9  }
0xf4: {  	v0, _, _ =	vpop @!p0 (xrf2)  }
0xf5: {  	(v2sf) =	vpush @!p0 v0, $0xF;
	_ =	sdelay $0xe  }
0xf6: {  	s3 =	spop @!p0 (v2sf)  }
0xf7: {  	s3 =	smul.f32 @!p0 $3.124999930e-04, s3;
	_ =	sdelay $0x1  }
0xf8: {  	v0 =	vmov @!p0 s3  }
0xf9: {  	s4 =	simm.s32 @!p0 $0x860;
	s3 =	simm.s32 @!p0 $0x0;
	[tilespmem:$0x860] =	vst @!p0 v0  }
0xfa: {  	[hbm4b:s1+s3] =	stream.linear.scatter @!p0 [tilespmem:s4], [sflag:$0x2], $0x10, $0x38;
	[tilespmem:$0x980] =	vst v63  }
0xfb: {  	_ =	swait.ge @!p0 [sflag:s2], $0x10  }
0xfc: {  	[sflag:s2] =	ssyncset.done @!p0 $0x0  }
0xfd: {  	[sflag:s2] =	ssyncadd.s32 @!p0 $0xFFFFFFF0  }
0xfe: {  	_ =	sfence.sel @!p0 $0x180000  }
0xff: {  	[bflag:$0x0] =	sbarrier.arrive @!p0 $0xFFFF  }
0x100: {  	_ =	strace @!p0 $0x90000047  }
0x101: {  	s0 =	sadd.s32 @!p0 $0x100000, s0;
	[bflag:$0x2] =	sbarrier.arrive @!p0 $0xFFFF  }
0x102: {  	[sflag:s0] =	ssyncadd.tile.s32 @!p0 $0x1;
	_ =	shalt  }
.Lfunc_end2:
_tile_overlayer_lowered:
.L_overlay_start_2:
0x103: {  	(tag) =	ssettag $0x2  }
0x104: {  	s0 =	rddreg [dreg:$0x0];
	s2 =	stileid.u32  }
0x105: {  	s1 =	rddreg [dreg:$0x1];
	p0 =	sne.s32 s2, $0x0  }
0x106: {  	s3 =	rddreg [dreg:$0x2];
	[bflag:$0x3] =	sbarrier.arrive $0xFFFF;
	s2 =	simm.s32 @!p0 $0x1C02  }
0x107: {  	[timem:s3], [sflag:s2] =	dma.local @!p0 [hbm:s0], s1  }
0x108: {  	s0 =	simm.s32 @!p0 $0x2  }
0x109: {  	_ =	swait.ge @!p0 [sflag:s0], s1  }
0x10a: {  	s1 =	ssub.s32 @!p0 $0x0, s1;
	[sflag:s0] =	ssyncset.done @!p0 $0x0  }
0x10b: {  	[sflag:s0] =	ssyncadd.s32 @!p0 s1  }
0x10c: {  	[bflag:$0x3] =	sbarrier.arrive $0xFFFF  }
0x10d: {  	_ =	shalt  }

</sc_bundles>
